<compile_context>
chip_gen: v7x
topology: tpu7x:2x2x1
jax: 0.10.2.dev20260603
libtpu: 0.0.44.dev20260713+nightly
codegen_flags: <defaults>
</compile_context>

<pallas_src>
import functools

import jax
import jax.numpy as jnp
from jax import lax
from jax.experimental import pallas as pl
from jax.experimental.pallas import tpu as pltpu
from jax.experimental.pallas import tpu_sc as plsc

N = 10000
E = 320000
D_IN = 128
H1 = 64
D_OUT = 2

NC = 2
NS = 16
NW = NC * NS
CH = 128
N_PAD = 10240
E_PAD = 327680
EPT = E_PAD // NW
ITERS = EPT // CH
ROWS_PT = N_PAD // NS

_mesh = plsc.VectorSubcoreMesh(core_axis_name="c", subcore_axis_name="s")


@functools.partial(
    pl.kernel,
    out_type=(
        jax.ShapeDtypeStruct((NC * N_PAD,), jnp.float32),
        jax.ShapeDtypeStruct((NC * N_PAD,), jnp.float32),
    ),
    mesh=_mesh,
    compiler_params=pltpu.CompilerParams(use_tc_tiling_on_sc=False),
    scratch_types=[
        pltpu.VMEM_SHARED((N_PAD,), jnp.float32),
        pltpu.VMEM_SHARED((N_PAD,), jnp.float32),
        pltpu.VMEM((CH,), jnp.int32),
        pltpu.VMEM((CH,), jnp.int32),
        pltpu.VMEM((CH,), jnp.float32),
    ],
)
def _degree_kernel(src_hbm, dst_hbm, zeros_hbm, sdeg_out, ddeg_out,
                   shist, dhist, srcb, dstb, onesb):
    c = lax.axis_index("c")
    s = lax.axis_index("s")
    base = (c * NS + s) * EPT

    for i in range(CH // 16):
        onesb[pl.ds(i * 16, 16)] = jnp.ones((16,), jnp.float32)

    pltpu.sync_copy(zeros_hbm.at[pl.ds(s * ROWS_PT, ROWS_PT)],
                    shist.at[pl.ds(s * ROWS_PT, ROWS_PT)])
    pltpu.sync_copy(zeros_hbm.at[pl.ds(s * ROWS_PT, ROWS_PT)],
                    dhist.at[pl.ds(s * ROWS_PT, ROWS_PT)])
    plsc.subcore_barrier()

    def body(g, carry):
        off = base + g * CH
        pltpu.sync_copy(src_hbm.at[pl.ds(off, CH)], srcb)
        pltpu.sync_copy(dst_hbm.at[pl.ds(off, CH)], dstb)
        pltpu.sync_copy(onesb, shist.at[srcb], add=True)
        pltpu.sync_copy(onesb, dhist.at[dstb], add=True)
        return carry

    lax.fori_loop(0, ITERS, body, 0)
    plsc.subcore_barrier()

    pltpu.sync_copy(shist.at[pl.ds(s * ROWS_PT, ROWS_PT)],
                    sdeg_out.at[pl.ds(c * N_PAD + s * ROWS_PT, ROWS_PT)])
    pltpu.sync_copy(dhist.at[pl.ds(s * ROWS_PT, ROWS_PT)],
                    ddeg_out.at[pl.ds(c * N_PAD + s * ROWS_PT, ROWS_PT)])


def _h_body(x_ref, deg_ref, w_ref, h_ref):
    deg = jnp.maximum(deg_ref[0] + deg_ref[1], 1.0)
    xs = x_ref[...] * lax.rsqrt(deg)[:, None]
    h_ref[...] = jnp.dot(xs, w_ref[...], preferred_element_type=jnp.float32)


_B_ROWS = 1280


def _stage2(x_pad, sdeg2, W1):
    return pl.pallas_call(
        _h_body,
        grid=(N_PAD // _B_ROWS,),
        in_specs=[
            pl.BlockSpec((_B_ROWS, D_IN), lambda i: (i, 0)),
            pl.BlockSpec((NC, _B_ROWS), lambda i: (0, i)),
            pl.BlockSpec((D_IN, H1), lambda i: (0, 0)),
        ],
        out_specs=pl.BlockSpec((_B_ROWS, H1), lambda i: (i, 0)),
        out_shape=jax.ShapeDtypeStruct((N_PAD, H1), jnp.float32),
    )(x_pad, sdeg2, W1)


@functools.partial(
    pl.kernel,
    out_type=jax.ShapeDtypeStruct((NC * N_PAD, H1), jnp.float32),
    mesh=_mesh,
    compiler_params=pltpu.CompilerParams(use_tc_tiling_on_sc=False),
    scratch_types=[
        pltpu.VMEM_SHARED((N_PAD, H1), jnp.float32),
        pltpu.VMEM((CH,), jnp.int32),
        pltpu.VMEM((CH,), jnp.int32),
        pltpu.VMEM((CH, H1), jnp.float32),
        pltpu.SemaphoreType.DMA,
    ],
)
def _scatter_kernel(h_hbm, src_hbm, dst_hbm, zeros_hbm, agg_out,
                    agg_sh, srcb, dstb, rows, gsem):
    c = lax.axis_index("c")
    s = lax.axis_index("s")
    base = (c * NS + s) * EPT

    pltpu.sync_copy(zeros_hbm, agg_sh.at[pl.ds(s * ROWS_PT, ROWS_PT)])
    plsc.subcore_barrier()

    def body(g, carry):
        off = base + g * CH
        pltpu.sync_copy(src_hbm.at[pl.ds(off, CH)], srcb)
        pltpu.sync_copy(dst_hbm.at[pl.ds(off, CH)], dstb)
        pltpu.async_copy(h_hbm.at[srcb], rows, gsem).wait()
        pltpu.sync_copy(rows, agg_sh.at[dstb], add=True)
        return carry

    lax.fori_loop(0, ITERS, body, 0)
    plsc.subcore_barrier()

    pltpu.sync_copy(agg_sh.at[pl.ds(s * ROWS_PT, ROWS_PT)],
                    agg_out.at[pl.ds(c * N_PAD + s * ROWS_PT, ROWS_PT)])


def _out_body(agg_ref, deg_ref, b1_ref, g1_ref, be1_ref, w2_ref, b2_ref, o_ref):
    eps = 1e-5
    a = agg_ref[0] + agg_ref[1]
    idn = lax.rsqrt(jnp.maximum(deg_ref[0] + deg_ref[1], 1.0))
    t = a * idn[:, None] + b1_ref[...]
    t = t * (g1_ref[...] * (1.0 / jnp.sqrt(1.0 + eps))) + be1_ref[...]
    t = jnp.maximum(t, 0.0)
    o_ref[...] = (jnp.dot(t, w2_ref[...], preferred_element_type=jnp.float32)
                  + b2_ref[...])


def _stage4(agg2, ddeg2, b1, gamma1, beta1, W2, b2):
    return pl.pallas_call(
        _out_body,
        grid=(N_PAD // _B_ROWS,),
        in_specs=[
            pl.BlockSpec((NC, _B_ROWS, H1), lambda i: (0, i, 0)),
            pl.BlockSpec((NC, _B_ROWS), lambda i: (0, i)),
            pl.BlockSpec((1, H1), lambda i: (0, 0)),
            pl.BlockSpec((1, H1), lambda i: (0, 0)),
            pl.BlockSpec((1, H1), lambda i: (0, 0)),
            pl.BlockSpec((H1, D_OUT), lambda i: (0, 0)),
            pl.BlockSpec((1, D_OUT), lambda i: (0, 0)),
        ],
        out_specs=pl.BlockSpec((_B_ROWS, D_OUT), lambda i: (i, 0)),
        out_shape=jax.ShapeDtypeStruct((N_PAD, D_OUT), jnp.float32),
    )(agg2, ddeg2, b1.reshape(1, H1), gamma1.reshape(1, H1),
      beta1.reshape(1, H1), W2, b2.reshape(1, D_OUT))


def kernel(x, edge_index, W1, b1, gamma1, beta1, W2, b2):
    src = edge_index[0]
    dst = edge_index[1]
    pad = jnp.int32(N) + (jnp.arange(E_PAD - E, dtype=jnp.int32) % (N_PAD - N))
    src_p = jnp.concatenate([src, pad])
    dst_p = jnp.concatenate([dst, pad])
    x_pad = jnp.pad(x, ((0, N_PAD - N), (0, 0)))
    zeros1 = jnp.zeros((N_PAD,), jnp.float32)
    zeros2 = jnp.zeros((ROWS_PT, H1), jnp.float32)

    sdeg, ddeg = _degree_kernel(src_p, dst_p, zeros1)
    sdeg2 = sdeg.reshape(NC, N_PAD)
    ddeg2 = ddeg.reshape(NC, N_PAD)

    h = _stage2(x_pad, sdeg2, W1)
    agg = _scatter_kernel(h, src_p, dst_p, zeros2)
    agg2 = agg.reshape(NC, N_PAD, H1)

    out = _stage4(agg2, ddeg2, b1, gamma1, beta1, W2, b2)
    return out[:N]

# --- scband reference (transcript-rebuilt; emitter-appended) ---
"""Pipeline reference for scband-net-graph-conv-2018634629689 (READ-ONLY COPY).

The authoritative reference and input builder live on the scoring server;
editing this copy changes nothing except your own understanding.
"""

import jax, jax.numpy as jnp
import numpy as np

N = 10000
E = 320000
D_IN = 128
H1 = 64
D_OUT = 2


def setup_inputs(seed: int = 0) -> dict:
    key = jax.random.key(seed)
    ks = jax.random.split(key, 8)
    x = jax.random.normal(ks[0], (N, D_IN), dtype=jnp.float32)
    edge_index = jax.random.randint(ks[1], (2, E), 0, N, dtype=jnp.int32)
    W1 = jax.random.normal(ks[2], (D_IN, H1), dtype=jnp.float32) * (1.0 / np.sqrt(D_IN))
    b1 = jnp.zeros((H1,), dtype=jnp.float32)
    gamma1 = jnp.ones((H1,), dtype=jnp.float32)
    beta1 = jnp.zeros((H1,), dtype=jnp.float32)
    W2 = jax.random.normal(ks[3], (H1, D_OUT), dtype=jnp.float32) * (1.0 / np.sqrt(H1))
    b2 = jnp.zeros((D_OUT,), dtype=jnp.float32)
    return {"x": x, "edge_index": edge_index, "W1": W1, "b1": b1,
            "gamma1": gamma1, "beta1": beta1, "W2": W2, "b2": b2}


def _graph_conv(x, edge_index, W, b):
    # DGL GraphConv with norm='both': D^{-1/2} A D^{-1/2} X W + b.
    # in_feats > out_feats so weight is applied before aggregation.
    src = edge_index[0]
    dst = edge_index[1]
    ones = jnp.ones((src.shape[0],), dtype=x.dtype)
    out_deg = jnp.maximum(jax.ops.segment_sum(ones, src, num_segments=N), 1.0)
    in_deg = jnp.maximum(jax.ops.segment_sum(ones, dst, num_segments=N), 1.0)
    h = x * (out_deg ** -0.5)[:, None]
    h = h @ W
    msg = jnp.take(h, src, axis=0)
    agg = jax.ops.segment_sum(msg, dst, num_segments=N)
    agg = agg * (in_deg ** -0.5)[:, None]
    return agg + b


def reference(x, edge_index, W1, b1, gamma1, beta1, W2, b2):
    eps = 1e-5
    h = _graph_conv(x, edge_index, W1, b1)
    # BatchNorm1d in eval mode with init running stats (mean=0, var=1)
    h = (h / jnp.sqrt(1.0 + eps)) * gamma1 + beta1
    h = jax.nn.relu(h)
    # dropout is identity in eval mode
    h = h @ W2 + b2
    return h

if __name__ == "__main__":
    import jax
    _d = setup_inputs()
    print(jax.jit(kernel)(*tuple(_d.values())))

</pallas_src>

<mosaic_0001>
#map = affine_map<(d0, d1) -> (0)>
module attributes {stable_mosaic.version = 14 : i64} {
  func.func @_degree_kernel(%arg0: i32, %arg1: i32, %arg2: memref<327680xi32, #tpu.memory_space<hbm>>, %arg3: memref<327680xi32, #tpu.memory_space<hbm>>, %arg4: memref<10240xf32, #tpu.memory_space<hbm>>, %arg5: memref<20480xf32, #tpu.memory_space<hbm>>, %arg6: memref<20480xf32, #tpu.memory_space<hbm>>, %arg7: memref<10240xf32, #tpu.memory_space<vmem_shared>>, %arg8: memref<10240xf32, #tpu.memory_space<vmem_shared>>, %arg9: memref<128xi32, #tpu.memory_space<vmem>>, %arg10: memref<128xi32, #tpu.memory_space<vmem>>, %arg11: memref<128xf32, #tpu.memory_space<vmem>>) attributes {dimension_semantics = [#tpu.dimension_semantics<core_parallel>, #tpu.dimension_semantics<subcore_parallel>], iteration_bounds = array<i64: 2, 16>, scalar_prefetch = 0 : i64, scratch_operands = 5 : i64, tpu.core_type = #tpu.core_type<sc_vector_subcore>, window_params = [{transform_indices = #map}, {transform_indices = #map}, {transform_indices = #map}, {transform_indices = #map}, {transform_indices = #map}]} {
    %mul3A = arith.constant 16 : i32
    %mul3A_0 = arith.muli %arg0, %mul3A : i32
    %add3A = arith.addi %mul3A_0, %arg1 : i32
    %mul3A_1 = arith.constant 10240 : i32
    %mul3A_2 = arith.muli %add3A, %mul3A_1 : i32
    %broadcast_in_dim3A = arith.constant 1.000000e+00 : f32
    %broadcast_in_dim3A_3 = vector.broadcast %broadcast_in_dim3A : f32 to vector<16xf32>
    %swap3A = arith.constant 0 : index
    %swap3A_4 = tpu.vector_load %arg11[%swap3A] {strides = array<i32>} : memref<128xf32, #tpu.memory_space<vmem>>, vector<16xf32>,
    %swap3A_5 = vector.shape_cast %swap3A_4 : vector<16xf32> to vector<16xf32>
    %swap3A_6 = vector.shape_cast %broadcast_in_dim3A_3 : vector<16xf32> to vector<16xf32>
    tpu.vector_store %arg11[%swap3A], %swap3A_6 {strides = array<i32>} : memref<128xf32, #tpu.memory_space<vmem>>, vector<16xf32>,
    %broadcast_in_dim3A_7 = arith.constant 1.000000e+00 : f32
    %broadcast_in_dim3A_8 = vector.broadcast %broadcast_in_dim3A_7 : f32 to vector<16xf32>
    %swap3A_9 = arith.constant 16 : index
    %swap3A_10 = tpu.vector_load %arg11[%swap3A_9] {strides = array<i32>} : memref<128xf32, #tpu.memory_space<vmem>>, vector<16xf32>,
    %swap3A_11 = vector.shape_cast %swap3A_10 : vector<16xf32> to vector<16xf32>
    %swap3A_12 = vector.shape_cast %broadcast_in_dim3A_8 : vector<16xf32> to vector<16xf32>
    tpu.vector_store %arg11[%swap3A_9], %swap3A_12 {strides = array<i32>} : memref<128xf32, #tpu.memory_space<vmem>>, vector<16xf32>,
    %broadcast_in_dim3A_13 = arith.constant 1.000000e+00 : f32
    %broadcast_in_dim3A_14 = vector.broadcast %broadcast_in_dim3A_13 : f32 to vector<16xf32>
    %swap3A_15 = arith.constant 32 : index
    %swap3A_16 = tpu.vector_load %arg11[%swap3A_15] {strides = array<i32>} : memref<128xf32, #tpu.memory_space<vmem>>, vector<16xf32>,
    %swap3A_17 = vector.shape_cast %swap3A_16 : vector<16xf32> to vector<16xf32>
    %swap3A_18 = vector.shape_cast %broadcast_in_dim3A_14 : vector<16xf32> to vector<16xf32>
    tpu.vector_store %arg11[%swap3A_15], %swap3A_18 {strides = array<i32>} : memref<128xf32, #tpu.memory_space<vmem>>, vector<16xf32>,
    %broadcast_in_dim3A_19 = arith.constant 1.000000e+00 : f32
    %broadcast_in_dim3A_20 = vector.broadcast %broadcast_in_dim3A_19 : f32 to vector<16xf32>
    %swap3A_21 = arith.constant 48 : index
    %swap3A_22 = tpu.vector_load %arg11[%swap3A_21] {strides = array<i32>} : memref<128xf32, #tpu.memory_space<vmem>>, vector<16xf32>,
    %swap3A_23 = vector.shape_cast %swap3A_22 : vector<16xf32> to vector<16xf32>
    %swap3A_24 = vector.shape_cast %broadcast_in_dim3A_20 : vector<16xf32> to vector<16xf32>
    tpu.vector_store %arg11[%swap3A_21], %swap3A_24 {strides = array<i32>} : memref<128xf32, #tpu.memory_space<vmem>>, vector<16xf32>,
    %broadcast_in_dim3A_25 = arith.constant 1.000000e+00 : f32
    %broadcast_in_dim3A_26 = vector.broadcast %broadcast_in_dim3A_25 : f32 to vector<16xf32>
    %swap3A_27 = arith.constant 64 : index
    %swap3A_28 = tpu.vector_load %arg11[%swap3A_27] {strides = array<i32>} : memref<128xf32, #tpu.memory_space<vmem>>, vector<16xf32>,
    %swap3A_29 = vector.shape_cast %swap3A_28 : vector<16xf32> to vector<16xf32>
    %swap3A_30 = vector.shape_cast %broadcast_in_dim3A_26 : vector<16xf32> to vector<16xf32>
    tpu.vector_store %arg11[%swap3A_27], %swap3A_30 {strides = array<i32>} : memref<128xf32, #tpu.memory_space<vmem>>, vector<16xf32>,
    %broadcast_in_dim3A_31 = arith.constant 1.000000e+00 : f32
    %broadcast_in_dim3A_32 = vector.broadcast %broadcast_in_dim3A_31 : f32 to vector<16xf32>
    %swap3A_33 = arith.constant 80 : index
    %swap3A_34 = tpu.vector_load %arg11[%swap3A_33] {strides = array<i32>} : memref<128xf32, #tpu.memory_space<vmem>>, vector<16xf32>,
    %swap3A_35 = vector.shape_cast %swap3A_34 : vector<16xf32> to vector<16xf32>
    %swap3A_36 = vector.shape_cast %broadcast_in_dim3A_32 : vector<16xf32> to vector<16xf32>
    tpu.vector_store %arg11[%swap3A_33], %swap3A_36 {strides = array<i32>} : memref<128xf32, #tpu.memory_space<vmem>>, vector<16xf32>,
    %broadcast_in_dim3A_37 = arith.constant 1.000000e+00 : f32
    %broadcast_in_dim3A_38 = vector.broadcast %broadcast_in_dim3A_37 : f32 to vector<16xf32>
    %swap3A_39 = arith.constant 96 : index
    %swap3A_40 = tpu.vector_load %arg11[%swap3A_39] {strides = array<i32>} : memref<128xf32, #tpu.memory_space<vmem>>, vector<16xf32>,
    %swap3A_41 = vector.shape_cast %swap3A_40 : vector<16xf32> to vector<16xf32>
    %swap3A_42 = vector.shape_cast %broadcast_in_dim3A_38 : vector<16xf32> to vector<16xf32>
    tpu.vector_store %arg11[%swap3A_39], %swap3A_42 {strides = array<i32>} : memref<128xf32, #tpu.memory_space<vmem>>, vector<16xf32>,
    %broadcast_in_dim3A_43 = arith.constant 1.000000e+00 : f32
    %broadcast_in_dim3A_44 = vector.broadcast %broadcast_in_dim3A_43 : f32 to vector<16xf32>
    %swap3A_45 = arith.constant 112 : index
    %swap3A_46 = tpu.vector_load %arg11[%swap3A_45] {strides = array<i32>} : memref<128xf32, #tpu.memory_space<vmem>>, vector<16xf32>,
    %swap3A_47 = vector.shape_cast %swap3A_46 : vector<16xf32> to vector<16xf32>
    %swap3A_48 = vector.shape_cast %broadcast_in_dim3A_44 : vector<16xf32> to vector<16xf32>
    tpu.vector_store %arg11[%swap3A_45], %swap3A_48 {strides = array<i32>} : memref<128xf32, #tpu.memory_space<vmem>>, vector<16xf32>,
    %mul3A_49 = arith.constant 640 : i32
    %mul3A_50 = arith.muli %arg1, %mul3A_49 : i32
    %mul3A_51 = arith.constant 640 : i32
    %mul3A_52 = arith.muli %arg1, %mul3A_51 : i32
    "tpu.region"() ({
      %run_scoped3A = tpu.sem_alloc : memref<!tpu.dma_semaphore, #tpu.memory_space<semaphore_mem>>
      %dma_start3A = tpu.memref_slice %arg7[%mul3A_52] : memref<10240xf32, #tpu.memory_space<vmem_shared>> -> memref<640xf32, #tpu.memory_space<vmem_shared>>
      %dma_start3A_77 = tpu.memref_slice %arg4[%mul3A_50] : memref<10240xf32, #tpu.memory_space<hbm>> -> memref<640xf32, #tpu.memory_space<hbm>>
      tpu.enqueue_dma source(%dma_start3A_77 : memref<640xf32, #tpu.memory_space<hbm>>) target(%dma_start3A : memref<640xf32, #tpu.memory_space<vmem_shared>>) target_semaphore(%run_scoped3A : memref<!tpu.dma_semaphore, #tpu.memory_space<semaphore_mem>>)
      %dma_wait3A = tpu.memref_slice %arg7[%mul3A_52] : memref<10240xf32, #tpu.memory_space<vmem_shared>> -> memref<640xf32, #tpu.memory_space<vmem_shared>>
      %dma_wait3A_78 = tpu.memref_slice %arg4[%mul3A_50] : memref<10240xf32, #tpu.memory_space<hbm>> -> memref<640xf32, #tpu.memory_space<hbm>>
      tpu.wait_dma2 semaphore(%run_scoped3A : memref<!tpu.dma_semaphore, #tpu.memory_space<semaphore_mem>>) src(%dma_wait3A_78 : memref<640xf32, #tpu.memory_space<hbm>>) dst(%dma_wait3A : memref<640xf32, #tpu.memory_space<vmem_shared>>)
      tpu.yield
    }) : () -> ()
    %mul3A_53 = arith.constant 640 : i32
    %mul3A_54 = arith.muli %arg1, %mul3A_53 : i32
    %mul3A_55 = arith.constant 640 : i32
    %mul3A_56 = arith.muli %arg1, %mul3A_55 : i32
    "tpu.region"() ({
      %run_scoped3A = tpu.sem_alloc : memref<!tpu.dma_semaphore, #tpu.memory_space<semaphore_mem>>
      %dma_start3A = tpu.memref_slice %arg8[%mul3A_56] : memref<10240xf32, #tpu.memory_space<vmem_shared>> -> memref<640xf32, #tpu.memory_space<vmem_shared>>
      %dma_start3A_77 = tpu.memref_slice %arg4[%mul3A_54] : memref<10240xf32, #tpu.memory_space<hbm>> -> memref<640xf32, #tpu.memory_space<hbm>>
      tpu.enqueue_dma source(%dma_start3A_77 : memref<640xf32, #tpu.memory_space<hbm>>) target(%dma_start3A : memref<640xf32, #tpu.memory_space<vmem_shared>>) target_semaphore(%run_scoped3A : memref<!tpu.dma_semaphore, #tpu.memory_space<semaphore_mem>>)
      %dma_wait3A = tpu.memref_slice %arg8[%mul3A_56] : memref<10240xf32, #tpu.memory_space<vmem_shared>> -> memref<640xf32, #tpu.memory_space<vmem_shared>>
      %dma_wait3A_78 = tpu.memref_slice %arg4[%mul3A_54] : memref<10240xf32, #tpu.memory_space<hbm>> -> memref<640xf32, #tpu.memory_space<hbm>>
      tpu.wait_dma2 semaphore(%run_scoped3A : memref<!tpu.dma_semaphore, #tpu.memory_space<semaphore_mem>>) src(%dma_wait3A_78 : memref<640xf32, #tpu.memory_space<hbm>>) dst(%dma_wait3A : memref<640xf32, #tpu.memory_space<vmem_shared>>)
      tpu.yield
    }) : () -> ()
    %barrier3A = arith.constant 0 : index
    tpu.barrier barrier_id(%barrier3A)
    %scan3A = arith.constant 0 : i32
    %scan3A_57 = arith.constant 0 : i32
    %scan3A_58 = arith.constant 80 : i32
    %scan3A_59 = arith.addi %scan3A_57, %scan3A_58 : i32
    %scan3A_60 = arith.constant 1 : i32
    scf.for %scan3A_77 = %scan3A_57 to %scan3A_59 step %scan3A_60  : i32 {
      %mul3A_78 = arith.constant 128 : i32
      %mul3A_79 = arith.muli %scan3A_77, %mul3A_78 : i32
      %add3A_80 = arith.addi %mul3A_2, %mul3A_79 : i32
      "tpu.region"() ({
        %run_scoped3A = tpu.sem_alloc : memref<!tpu.dma_semaphore, #tpu.memory_space<semaphore_mem>>
        %dma_start3A = tpu.memref_slice %arg2[%add3A_80] : memref<327680xi32, #tpu.memory_space<hbm>> -> memref<128xi32, #tpu.memory_space<hbm>>
        %dma_start3A_81 = tpu.memref_slice %arg2[%add3A_80] : memref<327680xi32, #tpu.memory_space<hbm>> -> memref<128xi32, #tpu.memory_space<hbm>>
        tpu.enqueue_dma source(%dma_start3A_81 : memref<128xi32, #tpu.memory_space<hbm>>) target(%arg9 : memref<128xi32, #tpu.memory_space<vmem>>) target_semaphore(%run_scoped3A : memref<!tpu.dma_semaphore, #tpu.memory_space<semaphore_mem>>)
        %dma_wait3A = tpu.memref_slice %arg2[%add3A_80] : memref<327680xi32, #tpu.memory_space<hbm>> -> memref<128xi32, #tpu.memory_space<hbm>>
        %dma_wait3A_82 = tpu.memref_slice %arg2[%add3A_80] : memref<327680xi32, #tpu.memory_space<hbm>> -> memref<128xi32, #tpu.memory_space<hbm>>
        tpu.wait_dma2 semaphore(%run_scoped3A : memref<!tpu.dma_semaphore, #tpu.memory_space<semaphore_mem>>) src(%dma_wait3A_82 : memref<128xi32, #tpu.memory_space<hbm>>) dst(%arg9 : memref<128xi32, #tpu.memory_space<vmem>>)
        tpu.yield
      }) : () -> ()
      "tpu.region"() ({
        %run_scoped3A = tpu.sem_alloc : memref<!tpu.dma_semaphore, #tpu.memory_space<semaphore_mem>>
        %dma_start3A = tpu.memref_slice %arg3[%add3A_80] : memref<327680xi32, #tpu.memory_space<hbm>> -> memref<128xi32, #tpu.memory_space<hbm>>
        %dma_start3A_81 = tpu.memref_slice %arg3[%add3A_80] : memref<327680xi32, #tpu.memory_space<hbm>> -> memref<128xi32, #tpu.memory_space<hbm>>
        tpu.enqueue_dma source(%dma_start3A_81 : memref<128xi32, #tpu.memory_space<hbm>>) target(%arg10 : memref<128xi32, #tpu.memory_space<vmem>>) target_semaphore(%run_scoped3A : memref<!tpu.dma_semaphore, #tpu.memory_space<semaphore_mem>>)
        %dma_wait3A = tpu.memref_slice %arg3[%add3A_80] : memref<327680xi32, #tpu.memory_space<hbm>> -> memref<128xi32, #tpu.memory_space<hbm>>
        %dma_wait3A_82 = tpu.memref_slice %arg3[%add3A_80] : memref<327680xi32, #tpu.memory_space<hbm>> -> memref<128xi32, #tpu.memory_space<hbm>>
        tpu.wait_dma2 semaphore(%run_scoped3A : memref<!tpu.dma_semaphore, #tpu.memory_space<semaphore_mem>>) src(%dma_wait3A_82 : memref<128xi32, #tpu.memory_space<hbm>>) dst(%arg10 : memref<128xi32, #tpu.memory_space<vmem>>)
        tpu.yield
      }) : () -> ()
      "tpu.region"() ({
        %run_scoped3A = tpu.sem_alloc : memref<!tpu.dma_semaphore, #tpu.memory_space<semaphore_mem>>
        %dma_start3A = arith.constant 0 : i32
        %dma_start3A_81 = tpu.memref_slice %arg7[%dma_start3A] : memref<10240xf32, #tpu.memory_space<vmem_shared>> -> memref<10240xf32, #tpu.memory_space<vmem_shared>>
        tpu.enqueue_indirect_dma source(%arg11 : memref<128xf32, #tpu.memory_space<vmem>>) target(%dma_start3A_81 : memref<10240xf32, #tpu.memory_space<vmem_shared>>) offsets(%arg9 : memref<128xi32, #tpu.memory_space<vmem>>) semaphore(%run_scoped3A : memref<!tpu.dma_semaphore, #tpu.memory_space<semaphore_mem>>) {add = true}
        %dma_wait3A = arith.constant 0 : i32
        %dma_wait3A_82 = tpu.memref_slice %arg7[%dma_wait3A] : memref<10240xf32, #tpu.memory_space<vmem_shared>> -> memref<10240xf32, #tpu.memory_space<vmem_shared>>
        tpu.wait_indirect_dma semaphore(%run_scoped3A : memref<!tpu.dma_semaphore, #tpu.memory_space<semaphore_mem>>) src(%arg11 : memref<128xf32, #tpu.memory_space<vmem>>) dst(%dma_wait3A_82 : memref<10240xf32, #tpu.memory_space<vmem_shared>>)
        tpu.yield
      }) : () -> ()
      "tpu.region"() ({
        %run_scoped3A = tpu.sem_alloc : memref<!tpu.dma_semaphore, #tpu.memory_space<semaphore_mem>>
        %dma_start3A = arith.constant 0 : i32
        %dma_start3A_81 = tpu.memref_slice %arg8[%dma_start3A] : memref<10240xf32, #tpu.memory_space<vmem_shared>> -> memref<10240xf32, #tpu.memory_space<vmem_shared>>
        tpu.enqueue_indirect_dma source(%arg11 : memref<128xf32, #tpu.memory_space<vmem>>) target(%dma_start3A_81 : memref<10240xf32, #tpu.memory_space<vmem_shared>>) offsets(%arg10 : memref<128xi32, #tpu.memory_space<vmem>>) semaphore(%run_scoped3A : memref<!tpu.dma_semaphore, #tpu.memory_space<semaphore_mem>>) {add = true}
        %dma_wait3A = arith.constant 0 : i32
        %dma_wait3A_82 = tpu.memref_slice %arg8[%dma_wait3A] : memref<10240xf32, #tpu.memory_space<vmem_shared>> -> memref<10240xf32, #tpu.memory_space<vmem_shared>>
        tpu.wait_indirect_dma semaphore(%run_scoped3A : memref<!tpu.dma_semaphore, #tpu.memory_space<semaphore_mem>>) src(%arg11 : memref<128xf32, #tpu.memory_space<vmem>>) dst(%dma_wait3A_82 : memref<10240xf32, #tpu.memory_space<vmem_shared>>)
        tpu.yield
      }) : () -> ()
    }
    %scan3A_61 = arith.constant 80 : i32
    %barrier3A_62 = arith.constant 0 : index
    tpu.barrier barrier_id(%barrier3A_62)
    %mul3A_63 = arith.constant 640 : i32
    %mul3A_64 = arith.muli %arg1, %mul3A_63 : i32
    %mul3A_65 = arith.constant 10240 : i32
    %mul3A_66 = arith.muli %arg0, %mul3A_65 : i32
    %mul3A_67 = arith.constant 640 : i32
    %mul3A_68 = arith.muli %arg1, %mul3A_67 : i32
    %add3A_69 = arith.addi %mul3A_66, %mul3A_68 : i32
    "tpu.region"() ({
      %run_scoped3A = tpu.sem_alloc : memref<!tpu.dma_semaphore, #tpu.memory_space<semaphore_mem>>
      %dma_start3A = tpu.memref_slice %arg5[%add3A_69] : memref<20480xf32, #tpu.memory_space<hbm>> -> memref<640xf32, #tpu.memory_space<hbm>>
      %dma_start3A_77 = tpu.memref_slice %arg7[%mul3A_64] : memref<10240xf32, #tpu.memory_space<vmem_shared>> -> memref<640xf32, #tpu.memory_space<vmem_shared>>
      tpu.enqueue_dma source(%dma_start3A_77 : memref<640xf32, #tpu.memory_space<vmem_shared>>) target(%dma_start3A : memref<640xf32, #tpu.memory_space<hbm>>) target_semaphore(%run_scoped3A : memref<!tpu.dma_semaphore, #tpu.memory_space<semaphore_mem>>)
      %dma_wait3A = tpu.memref_slice %arg5[%add3A_69] : memref<20480xf32, #tpu.memory_space<hbm>> -> memref<640xf32, #tpu.memory_space<hbm>>
      %dma_wait3A_78 = tpu.memref_slice %arg7[%mul3A_64] : memref<10240xf32, #tpu.memory_space<vmem_shared>> -> memref<640xf32, #tpu.memory_space<vmem_shared>>
      tpu.wait_dma2 semaphore(%run_scoped3A : memref<!tpu.dma_semaphore, #tpu.memory_space<semaphore_mem>>) src(%dma_wait3A_78 : memref<640xf32, #tpu.memory_space<vmem_shared>>) dst(%dma_wait3A : memref<640xf32, #tpu.memory_space<hbm>>)
      tpu.yield
    }) : () -> ()
    %mul3A_70 = arith.constant 640 : i32
    %mul3A_71 = arith.muli %arg1, %mul3A_70 : i32
    %mul3A_72 = arith.constant 10240 : i32
    %mul3A_73 = arith.muli %arg0, %mul3A_72 : i32
    %mul3A_74 = arith.constant 640 : i32
    %mul3A_75 = arith.muli %arg1, %mul3A_74 : i32
    %add3A_76 = arith.addi %mul3A_73, %mul3A_75 : i32
    "tpu.region"() ({
      %run_scoped3A = tpu.sem_alloc : memref<!tpu.dma_semaphore, #tpu.memory_space<semaphore_mem>>
      %dma_start3A = tpu.memref_slice %arg6[%add3A_76] : memref<20480xf32, #tpu.memory_space<hbm>> -> memref<640xf32, #tpu.memory_space<hbm>>
      %dma_start3A_77 = tpu.memref_slice %arg8[%mul3A_71] : memref<10240xf32, #tpu.memory_space<vmem_shared>> -> memref<640xf32, #tpu.memory_space<vmem_shared>>
      tpu.enqueue_dma source(%dma_start3A_77 : memref<640xf32, #tpu.memory_space<vmem_shared>>) target(%dma_start3A : memref<640xf32, #tpu.memory_space<hbm>>) target_semaphore(%run_scoped3A : memref<!tpu.dma_semaphore, #tpu.memory_space<semaphore_mem>>)
      %dma_wait3A = tpu.memref_slice %arg6[%add3A_76] : memref<20480xf32, #tpu.memory_space<hbm>> -> memref<640xf32, #tpu.memory_space<hbm>>
      %dma_wait3A_78 = tpu.memref_slice %arg8[%mul3A_71] : memref<10240xf32, #tpu.memory_space<vmem_shared>> -> memref<640xf32, #tpu.memory_space<vmem_shared>>
      tpu.wait_dma2 semaphore(%run_scoped3A : memref<!tpu.dma_semaphore, #tpu.memory_space<semaphore_mem>>) src(%dma_wait3A_78 : memref<640xf32, #tpu.memory_space<vmem_shared>>) dst(%dma_wait3A : memref<640xf32, #tpu.memory_space<hbm>>)
      tpu.yield
    }) : () -> ()
    return
  }
}

#map = affine_map<(d0, d1) -> (0, 0)>
#map1 = affine_map<(d0, d1) -> (0)>
module attributes {stable_mosaic.version = 14 : i64} {
  func.func @_scatter_kernel(%arg0: i32, %arg1: i32, %arg2: memref<10240x64xf32, #tpu.memory_space<hbm>>, %arg3: memref<327680xi32, #tpu.memory_space<hbm>>, %arg4: memref<327680xi32, #tpu.memory_space<hbm>>, %arg5: memref<640x64xf32, #tpu.memory_space<hbm>>, %arg6: memref<20480x64xf32, #tpu.memory_space<hbm>>, %arg7: memref<10240x64xf32, #tpu.memory_space<vmem_shared>>, %arg8: memref<128xi32, #tpu.memory_space<vmem>>, %arg9: memref<128xi32, #tpu.memory_space<vmem>>, %arg10: memref<128x64xf32, #tpu.memory_space<vmem>>, %arg11: memref<!tpu.dma_semaphore, #tpu.memory_space<semaphore_mem>>) attributes {dimension_semantics = [#tpu.dimension_semantics<core_parallel>, #tpu.dimension_semantics<subcore_parallel>], iteration_bounds = array<i64: 2, 16>, scalar_prefetch = 0 : i64, scratch_operands = 5 : i64, tpu.core_type = #tpu.core_type<sc_vector_subcore>, window_params = [{transform_indices = #map}, {transform_indices = #map1}, {transform_indices = #map1}, {transform_indices = #map}, {transform_indices = #map}]} {
    %mul3A = arith.constant 16 : i32
    %mul3A_0 = arith.muli %arg0, %mul3A : i32
    %add3A = arith.addi %mul3A_0, %arg1 : i32
    %mul3A_1 = arith.constant 10240 : i32
    %mul3A_2 = arith.muli %add3A, %mul3A_1 : i32
    %mul3A_3 = arith.constant 640 : i32
    %mul3A_4 = arith.muli %arg1, %mul3A_3 : i32
    "tpu.region"() ({
      %run_scoped3A = tpu.sem_alloc : memref<!tpu.dma_semaphore, #tpu.memory_space<semaphore_mem>>
      %dma_start3A = arith.constant 0 : i32
      %dma_start3A_18 = tpu.memref_slice %arg7[%mul3A_4, %dma_start3A] : memref<10240x64xf32, #tpu.memory_space<vmem_shared>> -> memref<640x64xf32, #tpu.memory_space<vmem_shared>>
      tpu.enqueue_dma source(%arg5 : memref<640x64xf32, #tpu.memory_space<hbm>>) target(%dma_start3A_18 : memref<640x64xf32, #tpu.memory_space<vmem_shared>>) target_semaphore(%run_scoped3A : memref<!tpu.dma_semaphore, #tpu.memory_space<semaphore_mem>>)
      %dma_wait3A = arith.constant 0 : i32
      %dma_wait3A_19 = tpu.memref_slice %arg7[%mul3A_4, %dma_wait3A] : memref<10240x64xf32, #tpu.memory_space<vmem_shared>> -> memref<640x64xf32, #tpu.memory_space<vmem_shared>>
      tpu.wait_dma2 semaphore(%run_scoped3A : memref<!tpu.dma_semaphore, #tpu.memory_space<semaphore_mem>>) src(%arg5 : memref<640x64xf32, #tpu.memory_space<hbm>>) dst(%dma_wait3A_19 : memref<640x64xf32, #tpu.memory_space<vmem_shared>>)
      tpu.yield
    }) : () -> ()
    %barrier3A = arith.constant 0 : index
    tpu.barrier barrier_id(%barrier3A)
    %scan3A = arith.constant 0 : i32
    %scan3A_5 = arith.constant 0 : i32
    %scan3A_6 = arith.constant 80 : i32
    %scan3A_7 = arith.addi %scan3A_5, %scan3A_6 : i32
    %scan3A_8 = arith.constant 1 : i32
    scf.for %scan3A_18 = %scan3A_5 to %scan3A_7 step %scan3A_8  : i32 {
      %mul3A_19 = arith.constant 128 : i32
      %mul3A_20 = arith.muli %scan3A_18, %mul3A_19 : i32
      %add3A_21 = arith.addi %mul3A_2, %mul3A_20 : i32
      "tpu.region"() ({
        %run_scoped3A = tpu.sem_alloc : memref<!tpu.dma_semaphore, #tpu.memory_space<semaphore_mem>>
        %dma_start3A_26 = tpu.memref_slice %arg3[%add3A_21] : memref<327680xi32, #tpu.memory_space<hbm>> -> memref<128xi32, #tpu.memory_space<hbm>>
        %dma_start3A_27 = tpu.memref_slice %arg3[%add3A_21] : memref<327680xi32, #tpu.memory_space<hbm>> -> memref<128xi32, #tpu.memory_space<hbm>>
        tpu.enqueue_dma source(%dma_start3A_27 : memref<128xi32, #tpu.memory_space<hbm>>) target(%arg8 : memref<128xi32, #tpu.memory_space<vmem>>) target_semaphore(%run_scoped3A : memref<!tpu.dma_semaphore, #tpu.memory_space<semaphore_mem>>)
        %dma_wait3A_28 = tpu.memref_slice %arg3[%add3A_21] : memref<327680xi32, #tpu.memory_space<hbm>> -> memref<128xi32, #tpu.memory_space<hbm>>
        %dma_wait3A_29 = tpu.memref_slice %arg3[%add3A_21] : memref<327680xi32, #tpu.memory_space<hbm>> -> memref<128xi32, #tpu.memory_space<hbm>>
        tpu.wait_dma2 semaphore(%run_scoped3A : memref<!tpu.dma_semaphore, #tpu.memory_space<semaphore_mem>>) src(%dma_wait3A_29 : memref<128xi32, #tpu.memory_space<hbm>>) dst(%arg8 : memref<128xi32, #tpu.memory_space<vmem>>)
        tpu.yield
      }) : () -> ()
      "tpu.region"() ({
        %run_scoped3A = tpu.sem_alloc : memref<!tpu.dma_semaphore, #tpu.memory_space<semaphore_mem>>
        %dma_start3A_26 = tpu.memref_slice %arg4[%add3A_21] : memref<327680xi32, #tpu.memory_space<hbm>> -> memref<128xi32, #tpu.memory_space<hbm>>
        %dma_start3A_27 = tpu.memref_slice %arg4[%add3A_21] : memref<327680xi32, #tpu.memory_space<hbm>> -> memref<128xi32, #tpu.memory_space<hbm>>
        tpu.enqueue_dma source(%dma_start3A_27 : memref<128xi32, #tpu.memory_space<hbm>>) target(%arg9 : memref<128xi32, #tpu.memory_space<vmem>>) target_semaphore(%run_scoped3A : memref<!tpu.dma_semaphore, #tpu.memory_space<semaphore_mem>>)
        %dma_wait3A_28 = tpu.memref_slice %arg4[%add3A_21] : memref<327680xi32, #tpu.memory_space<hbm>> -> memref<128xi32, #tpu.memory_space<hbm>>
        %dma_wait3A_29 = tpu.memref_slice %arg4[%add3A_21] : memref<327680xi32, #tpu.memory_space<hbm>> -> memref<128xi32, #tpu.memory_space<hbm>>
        tpu.wait_dma2 semaphore(%run_scoped3A : memref<!tpu.dma_semaphore, #tpu.memory_space<semaphore_mem>>) src(%dma_wait3A_29 : memref<128xi32, #tpu.memory_space<hbm>>) dst(%arg9 : memref<128xi32, #tpu.memory_space<vmem>>)
        tpu.yield
      }) : () -> ()
      %dma_start3A = arith.constant 0 : i32
      %dma_start3A_22 = arith.constant 0 : i32
      %dma_start3A_23 = tpu.memref_slice %arg2[%dma_start3A, %dma_start3A_22] : memref<10240x64xf32, #tpu.memory_space<hbm>> -> memref<10240x64xf32, #tpu.memory_space<hbm>>
      tpu.enqueue_indirect_dma source(%dma_start3A_23 : memref<10240x64xf32, #tpu.memory_space<hbm>>) target(%arg10 : memref<128x64xf32, #tpu.memory_space<vmem>>) offsets(%arg8 : memref<128xi32, #tpu.memory_space<vmem>>) semaphore(%arg11 : memref<!tpu.dma_semaphore, #tpu.memory_space<semaphore_mem>>)
      %dma_wait3A = arith.constant 0 : i32
      %dma_wait3A_24 = arith.constant 0 : i32
      %dma_wait3A_25 = tpu.memref_slice %arg2[%dma_wait3A, %dma_wait3A_24] : memref<10240x64xf32, #tpu.memory_space<hbm>> -> memref<10240x64xf32, #tpu.memory_space<hbm>>
      tpu.wait_indirect_dma semaphore(%arg11 : memref<!tpu.dma_semaphore, #tpu.memory_space<semaphore_mem>>) src(%dma_wait3A_25 : memref<10240x64xf32, #tpu.memory_space<hbm>>) dst(%arg10 : memref<128x64xf32, #tpu.memory_space<vmem>>)
      "tpu.region"() ({
        %run_scoped3A = tpu.sem_alloc : memref<!tpu.dma_semaphore, #tpu.memory_space<semaphore_mem>>
        %dma_start3A_26 = arith.constant 0 : i32
        %dma_start3A_27 = arith.constant 0 : i32
        %dma_start3A_28 = tpu.memref_slice %arg7[%dma_start3A_26, %dma_start3A_27] : memref<10240x64xf32, #tpu.memory_space<vmem_shared>> -> memref<10240x64xf32, #tpu.memory_space<vmem_shared>>
        tpu.enqueue_indirect_dma source(%arg10 : memref<128x64xf32, #tpu.memory_space<vmem>>) target(%dma_start3A_28 : memref<10240x64xf32, #tpu.memory_space<vmem_shared>>) offsets(%arg9 : memref<128xi32, #tpu.memory_space<vmem>>) semaphore(%run_scoped3A : memref<!tpu.dma_semaphore, #tpu.memory_space<semaphore_mem>>) {add = true}
        %dma_wait3A_29 = arith.constant 0 : i32
        %dma_wait3A_30 = arith.constant 0 : i32
        %dma_wait3A_31 = tpu.memref_slice %arg7[%dma_wait3A_29, %dma_wait3A_30] : memref<10240x64xf32, #tpu.memory_space<vmem_shared>> -> memref<10240x64xf32, #tpu.memory_space<vmem_shared>>
        tpu.wait_indirect_dma semaphore(%run_scoped3A : memref<!tpu.dma_semaphore, #tpu.memory_space<semaphore_mem>>) src(%arg10 : memref<128x64xf32, #tpu.memory_space<vmem>>) dst(%dma_wait3A_31 : memref<10240x64xf32, #tpu.memory_space<vmem_shared>>)
        tpu.yield
      }) : () -> ()
    }
    %scan3A_9 = arith.constant 80 : i32
    %barrier3A_10 = arith.constant 0 : index
    tpu.barrier barrier_id(%barrier3A_10)
    %mul3A_11 = arith.constant 640 : i32
    %mul3A_12 = arith.muli %arg1, %mul3A_11 : i32
    %mul3A_13 = arith.constant 10240 : i32
    %mul3A_14 = arith.muli %arg0, %mul3A_13 : i32
    %mul3A_15 = arith.constant 640 : i32
    %mul3A_16 = arith.muli %arg1, %mul3A_15 : i32
    %add3A_17 = arith.addi %mul3A_14, %mul3A_16 : i32
    "tpu.region"() ({
      %run_scoped3A = tpu.sem_alloc : memref<!tpu.dma_semaphore, #tpu.memory_space<semaphore_mem>>
      %dma_start3A = arith.constant 0 : i32
      %dma_start3A_18 = tpu.memref_slice %arg6[%add3A_17, %dma_start3A] : memref<20480x64xf32, #tpu.memory_space<hbm>> -> memref<640x64xf32, #tpu.memory_space<hbm>>
      %dma_start3A_19 = arith.constant 0 : i32
      %dma_start3A_20 = tpu.memref_slice %arg7[%mul3A_12, %dma_start3A_19] : memref<10240x64xf32, #tpu.memory_space<vmem_shared>> -> memref<640x64xf32, #tpu.memory_space<vmem_shared>>
      tpu.enqueue_dma source(%dma_start3A_20 : memref<640x64xf32, #tpu.memory_space<vmem_shared>>) target(%dma_start3A_18 : memref<640x64xf32, #tpu.memory_space<hbm>>) target_semaphore(%run_scoped3A : memref<!tpu.dma_semaphore, #tpu.memory_space<semaphore_mem>>)
      %dma_wait3A = arith.constant 0 : i32
      %dma_wait3A_21 = tpu.memref_slice %arg6[%add3A_17, %dma_wait3A] : memref<20480x64xf32, #tpu.memory_space<hbm>> -> memref<640x64xf32, #tpu.memory_space<hbm>>
      %dma_wait3A_22 = arith.constant 0 : i32
      %dma_wait3A_23 = tpu.memref_slice %arg7[%mul3A_12, %dma_wait3A_22] : memref<10240x64xf32, #tpu.memory_space<vmem_shared>> -> memref<640x64xf32, #tpu.memory_space<vmem_shared>>
      tpu.wait_dma2 semaphore(%run_scoped3A : memref<!tpu.dma_semaphore, #tpu.memory_space<semaphore_mem>>) src(%dma_wait3A_23 : memref<640x64xf32, #tpu.memory_space<vmem_shared>>) dst(%dma_wait3A_21 : memref<640x64xf32, #tpu.memory_space<hbm>>)
      tpu.yield
    }) : () -> ()
    return
  }
}

module attributes {stable_mosaic.version = 14 : i64} {
  func.func @_h_body(%arg0: i32, %arg1: memref<1280x128xf32, #tpu.memory_space<vmem>>, %arg2: memref<2x1280xf32, #tpu.memory_space<vmem>>, %arg3: memref<128x64xf32, #tpu.memory_space<vmem>>, %arg4: memref<1280x64xf32, #tpu.memory_space<vmem>>) attributes {dimension_semantics = [#tpu.dimension_semantics<arbitrary>], iteration_bounds = array<i64: 8>, scalar_prefetch = 0 : i64, scratch_operands = 0 : i64, tpu.core_type = #tpu.core_type<tc>, window_params = [{transform_indices = @transform_0, window_bounds = array<i64: 1280, 128>}, {transform_indices = @transform_1, window_bounds = array<i64: 2, 1280>}, {pipeline_mode = #tpu.pipeline_mode<synchronous>, transform_indices = @transform_2, window_bounds = array<i64: 128, 64>}, {transform_indices = @transform_3, window_bounds = array<i64: 1280, 64>}]} {
    %get3A = arith.constant 0 : index
    %get3A_0 = arith.constant 0 : index
    %get3A_1 = vector.load %arg2[%get3A, %get3A_0] : memref<2x1280xf32, #tpu.memory_space<vmem>>, vector<1x1280xf32>
    %get3A_2 = vector.shape_cast %get3A_1 : vector<1x1280xf32> to vector<1280xf32>
    %get3A_3 = arith.constant 1 : index
    %get3A_4 = arith.constant 0 : index
    %get3A_5 = vector.load %arg2[%get3A_3, %get3A_4] : memref<2x1280xf32, #tpu.memory_space<vmem>>, vector<1x1280xf32>
    %get3A_6 = vector.shape_cast %get3A_5 : vector<1x1280xf32> to vector<1280xf32>
    %add3A = arith.addf %get3A_2, %get3A_6 : vector<1280xf32>
    %max3A = arith.constant 1.000000e+00 : f32
    %max3A_7 = vector.broadcast %max3A : f32 to vector<1280xf32>
    %max3A_8 = arith.maximumf %add3A, %max3A_7 : vector<1280xf32>
    %get3A_9 = arith.constant 0 : index
    %get3A_10 = arith.constant 0 : index
    %get3A_11 = vector.load %arg1[%get3A_9, %get3A_10] : memref<1280x128xf32, #tpu.memory_space<vmem>>, vector<1280x128xf32>
    %rsqrt3A = math.rsqrt %max3A_8 : vector<1280xf32>
    %broadcast_in_dim3A = vector.shape_cast %rsqrt3A : vector<1280xf32> to vector<1280x1xf32>
    %mul3A = vector.broadcast %broadcast_in_dim3A : vector<1280x1xf32> to vector<1280x128xf32>
    %mul3A_12 = arith.mulf %get3A_11, %mul3A : vector<1280x128xf32>
    %get3A_13 = arith.constant 0 : index
    %get3A_14 = arith.constant 0 : index
    %get3A_15 = vector.load %arg3[%get3A_13, %get3A_14] : memref<128x64xf32, #tpu.memory_space<vmem>>, vector<128x64xf32>
    %dot_general3A = arith.constant dense<0.000000e+00> : vector<1280x64xf32>
    %dot_general3A_16 = tpu.matmul %mul3A_12, %get3A_15, %dot_general3A {dimension_numbers = #tpu.dot_dimension_numbers<[1], [0], [0], [1], [0, 0, 1, 1], [], []>, transpose_lhs_hint = false} : vector<1280x128xf32>, vector<128x64xf32>, vector<1280x64xf32> -> vector<1280x64xf32>
    %swap3A = arith.constant 0 : index
    %swap3A_17 = arith.constant 0 : index
    %swap3A_18 = vector.load %arg4[%swap3A, %swap3A_17] : memref<1280x64xf32, #tpu.memory_space<vmem>>, vector<1280x64xf32>
    tpu.vector_store %arg4[%swap3A, %swap3A_17], %dot_general3A_16 {strides = array<i32>} : memref<1280x64xf32, #tpu.memory_space<vmem>>, vector<1280x64xf32>,
    return
  }
  func.func @transform_0(%arg0: i32) -> (i32, i32) {
    %c0_i32 = arith.constant 0 : i32
    %c0_i32_0 = arith.constant 0 : i32
    return %arg0, %c0_i32 : i32, i32
  }
  func.func @transform_1(%arg0: i32) -> (i32, i32) {
    %c0_i32 = arith.constant 0 : i32
    %c0_i32_0 = arith.constant 0 : i32
    return %c0_i32, %arg0 : i32, i32
  }
  func.func @transform_2(%arg0: i32) -> (i32, i32) {
    %c0_i32 = arith.constant 0 : i32
    %c0_i32_0 = arith.constant 0 : i32
    %c0_i32_1 = arith.constant 0 : i32
    return %c0_i32, %c0_i32_0 : i32, i32
  }
  func.func @transform_3(%arg0: i32) -> (i32, i32) {
    %c0_i32 = arith.constant 0 : i32
    %c0_i32_0 = arith.constant 0 : i32
    return %arg0, %c0_i32 : i32, i32
  }
}

module attributes {stable_mosaic.version = 14 : i64} {
  func.func @_out_body(%arg0: i32, %arg1: memref<2x1280x64xf32, #tpu.memory_space<vmem>>, %arg2: memref<2x1280xf32, #tpu.memory_space<vmem>>, %arg3: memref<1x64xf32, #tpu.memory_space<vmem>>, %arg4: memref<1x64xf32, #tpu.memory_space<vmem>>, %arg5: memref<1x64xf32, #tpu.memory_space<vmem>>, %arg6: memref<64x2xf32, #tpu.memory_space<vmem>>, %arg7: memref<1x2xf32, #tpu.memory_space<vmem>>, %arg8: memref<1280x2xf32, #tpu.memory_space<vmem>>) attributes {dimension_semantics = [#tpu.dimension_semantics<arbitrary>], iteration_bounds = array<i64: 8>, scalar_prefetch = 0 : i64, scratch_operands = 0 : i64, tpu.core_type = #tpu.core_type<tc>, window_params = [{transform_indices = @transform_0, window_bounds = array<i64: 2, 1280, 64>}, {transform_indices = @transform_1, window_bounds = array<i64: 2, 1280>}, {pipeline_mode = #tpu.pipeline_mode<synchronous>, transform_indices = @transform_2, window_bounds = array<i64: 1, 64>}, {pipeline_mode = #tpu.pipeline_mode<synchronous>, transform_indices = @transform_3, window_bounds = array<i64: 1, 64>}, {pipeline_mode = #tpu.pipeline_mode<synchronous>, transform_indices = @transform_4, window_bounds = array<i64: 1, 64>}, {pipeline_mode = #tpu.pipeline_mode<synchronous>, transform_indices = @transform_5, window_bounds = array<i64: 64, 2>}, {pipeline_mode = #tpu.pipeline_mode<synchronous>, transform_indices = @transform_6, window_bounds = array<i64: 1, 2>}, {transform_indices = @transform_7, window_bounds = array<i64: 1280, 2>}]} {
    %get3A = arith.constant 0 : index
    %get3A_0 = arith.constant 0 : index
    %get3A_1 = arith.constant 0 : index
    %get3A_2 = vector.load %arg1[%get3A, %get3A_0, %get3A_1] : memref<2x1280x64xf32, #tpu.memory_space<vmem>>, vector<1x1280x64xf32>
    %get3A_3 = vector.shape_cast %get3A_2 : vector<1x1280x64xf32> to vector<1280x64xf32>
    %get3A_4 = arith.constant 1 : index
    %get3A_5 = arith.constant 0 : index
    %get3A_6 = arith.constant 0 : index
    %get3A_7 = vector.load %arg1[%get3A_4, %get3A_5, %get3A_6] : memref<2x1280x64xf32, #tpu.memory_space<vmem>>, vector<1x1280x64xf32>
    %get3A_8 = vector.shape_cast %get3A_7 : vector<1x1280x64xf32> to vector<1280x64xf32>
    %add3A = arith.addf %get3A_3, %get3A_8 : vector<1280x64xf32>
    %get3A_9 = arith.constant 0 : index
    %get3A_10 = arith.constant 0 : index
    %get3A_11 = vector.load %arg2[%get3A_9, %get3A_10] : memref<2x1280xf32, #tpu.memory_space<vmem>>, vector<1x1280xf32>
    %get3A_12 = vector.shape_cast %get3A_11 : vector<1x1280xf32> to vector<1280xf32>
    %get3A_13 = arith.constant 1 : index
    %get3A_14 = arith.constant 0 : index
    %get3A_15 = vector.load %arg2[%get3A_13, %get3A_14] : memref<2x1280xf32, #tpu.memory_space<vmem>>, vector<1x1280xf32>
    %get3A_16 = vector.shape_cast %get3A_15 : vector<1x1280xf32> to vector<1280xf32>
    %add3A_17 = arith.addf %get3A_12, %get3A_16 : vector<1280xf32>
    %max3A = arith.constant 1.000000e+00 : f32
    %max3A_18 = vector.broadcast %max3A : f32 to vector<1280xf32>
    %max3A_19 = arith.maximumf %add3A_17, %max3A_18 : vector<1280xf32>
    %rsqrt3A = math.rsqrt %max3A_19 : vector<1280xf32>
    %broadcast_in_dim3A = vector.shape_cast %rsqrt3A : vector<1280xf32> to vector<1280x1xf32>
    %mul3A = vector.broadcast %broadcast_in_dim3A : vector<1280x1xf32> to vector<1280x64xf32>
    %mul3A_20 = arith.mulf %add3A, %mul3A : vector<1280x64xf32>
    %get3A_21 = arith.constant 0 : index
    %get3A_22 = arith.constant 0 : index
    %get3A_23 = vector.load %arg3[%get3A_21, %get3A_22] : memref<1x64xf32, #tpu.memory_space<vmem>>, vector<1x64xf32>
    %add3A_24 = vector.broadcast %get3A_23 : vector<1x64xf32> to vector<1280x64xf32>
    %add3A_25 = arith.addf %mul3A_20, %add3A_24 : vector<1280x64xf32>
    %get3A_26 = arith.constant 0 : index
    %get3A_27 = arith.constant 0 : index
    %get3A_28 = vector.load %arg4[%get3A_26, %get3A_27] : memref<1x64xf32, #tpu.memory_space<vmem>>, vector<1x64xf32>
    %sqrt3A = arith.constant 1.000010e+00 : f32
    %sqrt3A_29 = math.sqrt %sqrt3A : f32
    %div3A = arith.constant 1.000000e+00 : f32
    %div3A_30 = arith.divf %div3A, %sqrt3A_29 : f32
    %mul3A_31 = vector.broadcast %div3A_30 : f32 to vector<1x64xf32>
    %mul3A_32 = arith.mulf %get3A_28, %mul3A_31 : vector<1x64xf32>
    %mul3A_33 = vector.broadcast %mul3A_32 : vector<1x64xf32> to vector<1280x64xf32>
    %mul3A_34 = arith.mulf %add3A_25, %mul3A_33 : vector<1280x64xf32>
    %get3A_35 = arith.constant 0 : index
    %get3A_36 = arith.constant 0 : index
    %get3A_37 = vector.load %arg5[%get3A_35, %get3A_36] : memref<1x64xf32, #tpu.memory_space<vmem>>, vector<1x64xf32>
    %add3A_38 = vector.broadcast %get3A_37 : vector<1x64xf32> to vector<1280x64xf32>
    %add3A_39 = arith.addf %mul3A_34, %add3A_38 : vector<1280x64xf32>
    %max3A_40 = arith.constant 0.000000e+00 : f32
    %max3A_41 = vector.broadcast %max3A_40 : f32 to vector<1280x64xf32>
    %max3A_42 = arith.maximumf %add3A_39, %max3A_41 : vector<1280x64xf32>
    %get3A_43 = arith.constant 0 : index
    %get3A_44 = arith.constant 0 : index
    %get3A_45 = vector.load %arg6[%get3A_43, %get3A_44] : memref<64x2xf32, #tpu.memory_space<vmem>>, vector<64x2xf32>
    %dot_general3A = arith.constant dense<0.000000e+00> : vector<1280x2xf32>
    %dot_general3A_46 = tpu.matmul %max3A_42, %get3A_45, %dot_general3A {dimension_numbers = #tpu.dot_dimension_numbers<[1], [0], [0], [1], [0, 0, 1, 1], [], []>, transpose_lhs_hint = false} : vector<1280x64xf32>, vector<64x2xf32>, vector<1280x2xf32> -> vector<1280x2xf32>
    %get3A_47 = arith.constant 0 : index
    %get3A_48 = arith.constant 0 : index
    %get3A_49 = vector.load %arg7[%get3A_47, %get3A_48] : memref<1x2xf32, #tpu.memory_space<vmem>>, vector<1x2xf32>
    %add3A_50 = vector.broadcast %get3A_49 : vector<1x2xf32> to vector<1280x2xf32>
    %add3A_51 = arith.addf %dot_general3A_46, %add3A_50 : vector<1280x2xf32>
    %swap3A = arith.constant 0 : index
    %swap3A_52 = arith.constant 0 : index
    %swap3A_53 = vector.load %arg8[%swap3A, %swap3A_52] : memref<1280x2xf32, #tpu.memory_space<vmem>>, vector<1280x2xf32>
    tpu.vector_store %arg8[%swap3A, %swap3A_52], %add3A_51 {strides = array<i32>} : memref<1280x2xf32, #tpu.memory_space<vmem>>, vector<1280x2xf32>,
    return
  }
  func.func @transform_0(%arg0: i32) -> (i32, i32, i32) {
    %c0_i32 = arith.constant 0 : i32
    %c0_i32_0 = arith.constant 0 : i32
    %c0_i32_1 = arith.constant 0 : i32
    return %c0_i32, %arg0, %c0_i32_0 : i32, i32, i32
  }
  func.func @transform_1(%arg0: i32) -> (i32, i32) {
    %c0_i32 = arith.constant 0 : i32
    %c0_i32_0 = arith.constant 0 : i32
    return %c0_i32, %arg0 : i32, i32
  }
  func.func @transform_2(%arg0: i32) -> (i32, i32) {
    %c0_i32 = arith.constant 0 : i32
    %c0_i32_0 = arith.constant 0 : i32
    %c0_i32_1 = arith.constant 0 : i32
    return %c0_i32, %c0_i32_0 : i32, i32
  }
  func.func @transform_3(%arg0: i32) -> (i32, i32) {
    %c0_i32 = arith.constant 0 : i32
    %c0_i32_0 = arith.constant 0 : i32
    %c0_i32_1 = arith.constant 0 : i32
    return %c0_i32, %c0_i32_0 : i32, i32
  }
  func.func @transform_4(%arg0: i32) -> (i32, i32) {
    %c0_i32 = arith.constant 0 : i32
    %c0_i32_0 = arith.constant 0 : i32
    %c0_i32_1 = arith.constant 0 : i32
    return %c0_i32, %c0_i32_0 : i32, i32
  }
  func.func @transform_5(%arg0: i32) -> (i32, i32) {
    %c0_i32 = arith.constant 0 : i32
    %c0_i32_0 = arith.constant 0 : i32
    %c0_i32_1 = arith.constant 0 : i32
    return %c0_i32, %c0_i32_0 : i32, i32
  }
  func.func @transform_6(%arg0: i32) -> (i32, i32) {
    %c0_i32 = arith.constant 0 : i32
    %c0_i32_0 = arith.constant 0 : i32
    %c0_i32_1 = arith.constant 0 : i32
    return %c0_i32, %c0_i32_0 : i32, i32
  }
  func.func @transform_7(%arg0: i32) -> (i32, i32) {
    %c0_i32 = arith.constant 0 : i32
    %c0_i32_0 = arith.constant 0 : i32
    return %arg0, %c0_i32 : i32, i32
  }
}

</mosaic_0001>

<sc_bundles>
// kernel: kernel.6.cloned.1.call-start
scs
__scs_entry_jumppad:
0x0: {  	(pc) =	sbr.rel $0x88, $3  }
0x1: {  	(tag) =	ssettag $0x0;
	lr =	simm.s32 $0x1  }
0x2: {  	[smem:$0x3F99] =	sst lr;
	_ =	strace $0xD0000000  }
0x3: {  	_ = 	snop  }
0x4: {  	_ = 	snop  }
0x5: {  	_ = 	snop  }
0x6: {  	_ = 	snop  }
0x7: {  	_ = 	snop  }
__scs_overlays_trampoline_lowered:
0x8: {  	[smem:$0x3FA8] =	sst s0  }
0x9: {  	[smem:$0x3FA9] =	sst s1  }
0xa: {  	[smem:$0x3FAA] =	sst s2  }
0xb: {  	[smem:$0x3FAB] =	sst s3  }
0xc: {  	[smem:$0x3FAC] =	sst s4  }
0xd: {  	[smem:$0x3FAD] =	sst s5  }
0xe: {  	[smem:$0x3FAE] =	sst s6  }
0xf: {  	[smem:$0x3FAF] =	sst s7  }
0x10: {  	[smem:$0x3FB0] =	sst s8  }
0x11: {  	[smem:$0x3FB1] =	sst s9;
	s0 =	simm.s32 @!p0 $0x0  }
0x12: {  	s1 =	sld [smem:$0x3F97];
	s0 =	simm.s32 @p0 $0x1  }
0x13: {  	[smem:$0x3FB2] =	sst s0;
	s0 =	simm.s32 @!p1 $0x0  }
0x14: {  	s2 =	sld [smem:$0x3F96];
	s0 =	simm.s32 @p1 $0x1  }
0x15: {  	[smem:$0x3FB3] =	sst s0;
	s0 =	simm.s32 @!p2 $0x0  }
0x16: {  	s3 =	sld [smem:$0x3FDB];
	s0 =	simm.s32 @p2 $0x1  }
0x17: {  	s4 =	simm.s32 $0x1BF5;
	[smem:$0x3FB5] =	sst s0  }
0x18: {  	s0 =	sld [smem:$0x3F98];
	_ =	swait.ge [sflag:s4], $0x0  }
0x19: {  	s7 =	sld [smem:$0x3F99]  }
0x1a: {  	s8 =	sadd.s32 $0xFFFFE003, lr  }
0x1b: {  	s9 =	sadd.s32 $0xFFFFFEF7, lr;
	s5 =	simm.s32 $0xFFFFFFFF;
	p2 =	slt.u32 s8, $0xFFFFF086  }
0x1c: {  	p1 =	slt.u32 s9, $0xF7A;
	s5 =	simm.s32 @!p2 $0x0  }
0x1d: {  	s5 =	simm.s32 @p1 $0x1;
	p0 =	seq.s32 s7, s2  }
0x1e: {  	s7 =	smul.u32 @!p0 $0xF7A, s2;
	p2 =	seq.s32 @!p0 s5, $0x0  }
0x1f: {  	s9 =	smul.u32 $0xF7A, s1;
	s8 =	simm.s32 @!p0 $0x1BF5;
	p2 =	por !p2, p0  }
0x20: {  	[sflag:s8] =	ssyncset.s32 @!p0 $0xFFFFF086;
	s6 =	sadd.s32 @!p0 s3, s7;
	s7 =	simm.s32 @!p0 $0x108  }
0x21: {  	s3 =	sadd.s32 s3, s9;
	s6 =	sadd.s32 @!p0 $0x88, s6;
	s7 =	simm.s32 @p2 $0x1082  }
0x22: {  	[simem:s7], [sflag:s8] =	dma.local @!p0 [hbm:s6], $0xF7A  }
0x23: {  	s9 =	sor.u32 $0xD0000000, s2;
	s6 =	simm.s32 $0x108;
	_ =	swait.ge @!p0 [sflag:s8], $0x0  }
0x24: {  	s3 =	sadd.s32 $0x88, s3;
	s6 =	simm.s32 @!p1 $0x1082;
	[sflag:s4] =	ssyncset.s32 $0xFFFFF086  }
0x25: {  	[simem:s6], [sflag:s4] =	dma.local [hbm:s3], $0xF7A  }
0x26: {  	[smem:$0x3F99] =	sst s1;
	(tag) =	ssettag s2;
	_ =	strace s9  }
0x27: {  	s1 =	sld [smem:$0x3FA9]  }
0x28: {  	s2 =	sld [smem:$0x3FAA]  }
0x29: {  	s4 =	sld [smem:$0x3FAC]  }
0x2a: {  	p0 =	seq.s32 s5, $0x0;
	s5 =	sld [smem:$0x3FAD]  }
0x2b: {  	s6 =	sld [smem:$0x3FAE]  }
0x2c: {  	s7 =	sld [smem:$0x3FAF]  }
0x2d: {  	s3 =	simm.s32 $0x108;
	s8 =	sld [smem:$0x3FB0]  }
0x2e: {  	s3 =	simm.s32 @!p0 $0x1082;
	s9 =	sld [smem:$0x3FB1]  }
0x2f: {  	lr =	sadd.s32 s0, s3;
	s0 =	sld [smem:$0x3FA8]  }
0x30: {  	s3 =	sld [smem:$0x3FAB]  }
0x31: {  	[smem:$0x3FB4] =	sst s10  }
0x32: {  	s10 =	sld [smem:$0x3FB2];
	_ =	sdelay $0x3  }
0x33: {  	p0 =	seq.s32 s10, $0x1;
	s10 =	sld [smem:$0x3FB4];
	_ =	sdelay $0x3  }
0x34: {  	[smem:$0x3FB4] =	sst s10  }
0x35: {  	s10 =	sld [smem:$0x3FB3];
	_ =	sdelay $0x3  }
0x36: {  	p1 =	seq.s32 s10, $0x1;
	s10 =	sld [smem:$0x3FB4];
	_ =	sdelay $0x3  }
0x37: {  	[smem:$0x3FB4] =	sst s10  }
0x38: {  	s10 =	sld [smem:$0x3FB5]  }
0x39: {  	_ = 	snop;
	(pc) =	sbr.ind lr, $3  }
0x3a: {  	_ = 	snop  }
0x3b: {  	_ = 	snop  }
0x3c: {  	p2 =	seq.s32 s10, $0x1;
	s10 =	sld [smem:$0x3FB4]  }
0x3d: {  	_ =	shalt  }
0x3e: {  	_ =	shalt  }
0x3f: {  	_ =	shalt  }
0x40: {  	_ =	shalt  }
0x41: {  	_ =	shalt  }
0x42: {  	_ =	shalt  }
0x43: {  	_ =	shalt  }
0x44: {  	_ =	shalt  }
0x45: {  	_ =	shalt  }
0x46: {  	_ =	shalt  }
0x47: {  	_ =	shalt  }
0x48: {  	_ =	shalt  }
0x49: {  	_ =	shalt  }
0x4a: {  	_ =	shalt  }
0x4b: {  	_ =	shalt  }
0x4c: {  	_ =	shalt  }
0x4d: {  	_ =	shalt  }
0x4e: {  	_ =	shalt  }
0x4f: {  	_ =	shalt  }
0x50: {  	_ =	shalt  }
0x51: {  	_ =	shalt  }
0x52: {  	_ =	shalt  }
0x53: {  	_ =	shalt  }
0x54: {  	_ =	shalt  }
0x55: {  	_ =	shalt  }
0x56: {  	_ =	shalt  }
0x57: {  	_ =	shalt  }
0x58: {  	_ =	shalt  }
0x59: {  	_ =	shalt  }
0x5a: {  	_ =	shalt  }
0x5b: {  	_ =	shalt  }
0x5c: {  	_ =	shalt  }
0x5d: {  	_ =	shalt  }
0x5e: {  	_ =	shalt  }
0x5f: {  	_ =	shalt  }
0x60: {  	_ =	shalt  }
0x61: {  	_ =	shalt  }
0x62: {  	_ =	shalt  }
0x63: {  	_ =	shalt  }
0x64: {  	_ =	shalt  }
0x65: {  	_ =	shalt  }
0x66: {  	_ =	shalt  }
0x67: {  	_ =	shalt  }
0x68: {  	_ =	shalt  }
0x69: {  	_ =	shalt  }
0x6a: {  	_ =	shalt  }
0x6b: {  	_ =	shalt  }
0x6c: {  	_ =	shalt  }
0x6d: {  	_ =	shalt  }
0x6e: {  	_ =	shalt  }
0x6f: {  	_ =	shalt  }
0x70: {  	_ =	shalt  }
0x71: {  	_ =	shalt  }
0x72: {  	_ =	shalt  }
0x73: {  	_ =	shalt  }
0x74: {  	_ =	shalt  }
0x75: {  	_ =	shalt  }
0x76: {  	_ =	shalt  }
0x77: {  	_ =	shalt  }
0x78: {  	_ =	shalt  }
0x79: {  	_ =	shalt  }
0x7a: {  	_ =	shalt  }
0x7b: {  	_ =	shalt  }
0x7c: {  	_ =	shalt  }
0x7d: {  	_ =	shalt  }
0x7e: {  	_ =	shalt  }
0x7f: {  	_ =	shalt  }
0x80: {  	_ =	shalt  }
0x81: {  	_ =	shalt  }
0x82: {  	_ =	shalt  }
0x83: {  	_ =	shalt  }
0x84: {  	_ =	shalt  }
0x85: {  	_ =	shalt  }
0x86: {  	_ =	shalt  }
0x87: {  	_ =	shalt  }
.Lfunc_end0:
.L_simem_size_0:
called_computation_lowered:
.L_overlay_start_0:
0x88: {  	s2 =	sld [smem:$0x3FD9]  }
0x89: {  	s3 =	sld [smem:$0x3FFE];
	_ =	sdelay $0x1  }
0x8a: {  	s1 =	srdreg.scid  }
0x8b: {  	s0 =	sand.u32 $0x1, s1  }
0x8c: {  	s17 =	sshll.u32 s0, $0xA;
	s2 =	sadd.s32 s3, s2  }
0x8d: {  	s2 =	sadd.s32 s2, s17  }
0x8e: {  	[smem:$0x3FC0] =	sst s2  }
0x8f: {  	_ = 	snop  }
0x90: {  	s2 =	sld [smem:$0x3FD0];
	(tm) =	ssettm $0x1  }
0x91: {  	s18 =	sld [smem:$0x3FFB];
	_ =	sdelay $0x3  }
0x92: {  	_ =	strace s18  }
0x93: {  	s3 =	sld [smem:$0x3FFC];
	_ =	sdelay $0x3  }
0x94: {  	_ =	strace s3  }
0x95: {  	s3 =	sld [smem:$0x3FFD];
	_ =	sdelay $0x3  }
0x96: {  	_ =	strace s3  }
0x97: {  	_ =	strace $0x8FFFFFFF  }
0x98: {  	s19 =	sld [smem:$0x3FDB];
	_ =	sdelay $0x1  }
0x99: {  	s4 =	simm.s32 $_scs_section_size  }
0x9a: {  	s5 =	simm.s32 $_size__tile_overlayer_lowered;
	s6 =	simm.s32 $_tile_overlayer_lowered  }
0x9b: {  	s22 =	simm.s32 $0x1BFF;
	s21 =	sshll.u32 s6, $0x1;
	s3 =	sadd.s32 s4, s19  }
0x9c: {  	s7 =	simm.s32 $0x0;
	s20 =	sshll.u32 s5, $0x1;
	s5 =	sadd.s32 s21, s3  }
0x9d: {  	[timem:s7], [sflag:s22] =	dma.local [hbm:s5], s20  }
0x9e: {  	_ =	swait.ge [sflag:s22], s20  }
0x9f: {  	s4 =	ssub.s32 $0x0, s20;
	[sflag:s22] =	ssyncset.done $0x0  }
0xa0: {  	[sflag:s22] =	ssyncadd.s32 s4;
	_ =	sdelay $0x1  }
0xa1: {  	s23 =	simm.s32 $0x1B8B  }
0xa2: {  	_ =	swait.ge [sflag:s23], $0x1  }
0xa3: {  	[sflag:s23] =	ssyncset.done $0x0  }
0xa4: {  	s25 =	simm.s32 $0x1B8E;
	s24 =	sld [smem:$0x3FFE];
	[sflag:s23] =	ssyncadd.s32 $0xFFFFFFFF  }
0xa5: {  	s26 =	simm.s32 $execute0_lowered;
	[smem:$0x3FD2] =	sst s25  }
0xa6: {  	s5 =	sshll.u32 s26, $0x1;
	_ =	strace $0x80000046;
	[dreg:$0x1] =	wrdreg $0xFFFFFFFF  }
0xa7: {  	s28 =	simm.s32 $_size_execute0_lowered;
	s3 =	sadd.s32 s3, s5;
	[dreg:$0x0] =	wrdreg $0x0  }
0xa8: {  	s5 =	sshll.u32 s28, $0x1;
	[dreg:$0x2] =	wrdreg s3  }
0xa9: {  	[dreg:$0x3] =	wrdreg s5  }
0xaa: {  	[dreg:$0x4] =	wrdreg $0xC0  }
0xab: {  	_ =	task [dreg:s7], $0x5FFFF  }
0xac: {  	[dreg:$0x1] =	wrdreg $0xFFFFFFFF  }
0xad: {  	[dreg:$0x0] =	wrdreg $0x60  }
0xae: {  	[dreg:$0x2] =	wrdreg s24  }
0xaf: {  	[dreg:$0x3] =	wrdreg s2  }
0xb0: {  	[dreg:$0x4] =	wrdreg $0x0  }
0xb1: {  	[dreg:$0x5] =	wrdreg $0x2800  }
0xb2: {  	[dreg:$0x6] =	wrdreg $0x9  }
0xb3: {  	_ =	task.clear_ibuf [dreg:s7], $0x7FFFF;
	_ =	strace $0x90000046  }
0xb4: {  	s29 =	simm.s32 $0x9;
	_ =	strace $0x80000048  }
0xb5: {  	_ =	swait.ge [sflag:s29], $0x1  }
0xb6: {  	[sflag:s29] =	ssyncadd.s32 $0xFFFFFFFF  }
0xb7: {  	_ =	strace $0x90000048  }
0xb8: {  	_ =	sfence  }
0xb9: {  	s30 =	sld [smem:$0x0];
	_ =	sdelay $0x2  }
0xba: {  	s31 =	sshll.u32 s1, $0xD;
	s1 =	sshrl.u32 s1, $0x2  }
0xbb: {  	s3 =	sand.u32 $0x4000, s31;
	s1 =	sadd.s32 s1, s30  }
0xbc: {  	s0 =	sor.u32 s3, s0;
	s1 =	sshll.u32 s1, $0x11  }
0xbd: {  	s0 =	sor.u32 s1, s0  }
0xbe: {  	s0 =	sadd.s32 $0x8F2B, s0  }
0xbf: {  	[sflag:s0] =	ssyncadd.remote.s32 $0x1  }
0xc0: {  	_ =	sfence.sel $0xFFFF  }
0xc1: {  	[dreg:$0x0] =	wrdreg $0xFFFFFFFF;
	(pc) =	sbr.abs _section_cstart, $3  }
0xc2: {  	[dreg:$0x1] =	wrdreg $0xFFFFFFFF  }
0xc3: {  	_ =	task.clear_ibuf [dreg:s7], $0x2FFFF;
	_ =	strace $0x9FFFFFFF  }
0xc4: {  	(tm) =	ssettm $0x7FFFFFFF  }
0xc5: {  	_ =	shalt  }
tec
execute0_lowered:
.L_overlay_start_1:
0x0: {  	(tag) =	ssettag $0x1  }
0x1: {  	s5 =	rddreg [dreg:$0x0]  }
0x2: {  	s6 =	rddreg [dreg:$0x1]  }
0x3: {  	s2 =	rddreg [dreg:$0x2]  }
0x4: {  	s3 =	rddreg [dreg:$0x3]  }
0x5: {  	s0 =	srdreg.scid;
	s1 =	rddreg [dreg:$0x4];
	s4 =	simm.s32 $0x0  }
0x6: {  	s13 =	simm.s32 $0x1;
	s15 =	simm.s32 $0x500;
	s7 =	sand.u32 $0x1, s0  }
0x7: {  	s16 =	simm.s32 $0x580;
	s0 =	stileid.u32;
	s8 =	smul.u32 $0x28000, s7  }
0x8: {  	s17 =	simm.s32 $0x80;
	s18 =	simm.s32 $0x600;
	s9 =	smul.u32 $0x2800, s0  }
0x9: {  	s19 =	simm.s32 $0x0;
	[smem:$0x7FF] =	sst s4;
	s10 =	smul.u32 $0x280, s0  }
0xa: {  	s11 =	smul.u32 $0x2800, s7;
	_ =	strace $0x80000047;
	s7 =	ssub.s32 $0x2, s7  }
0xb: {  	s31 =	sshll.u32 s0, $0x6;
	s29 =	sshrl.u32 s7, $0x1;
	s8 =	sadd.s32 s9, s8  }
0xc: {  	s25 =	sadd.s32 s10, s11;
	s9 =	ssub.s32 s7, s29;
	s30 =	sshrl.u32 s10, $0x3  }
0xd: {  	s12 =	sadd.s32 s10, s2;
	s14 =	sadd.s32 s10, s3;
	s8 =	sshrl.u32 s8, $0x3  }
0xe: {  	s28 =	sshrl.u32 s25, $0x3;
	s9 =	smax.u32 s9, $0x1;
	s12 =	sshrl.u32 s12, $0x3  }
0xf: {  	s14 =	sshrl.u32 s14, $0x3;
	s26 =	sadd.s32 s8, s5;
	s8 =	sadd.s32 s28, s5  }
0x10: {  	s5 =	sadd.s32 s6, s30;
	s6 =	sor.u32 $0x1C01, s31;
	s7 =	sadd.s32 $0x15C00, s8  }
0x11: {  	v0 =	vimm.f32 $1.000000000e+00;
	s8 =	sadd.s32 $0x16600, s8;
	s10 =	sadd.s32 $0x1C00, s26;
	s11 =	sadd.s32 $0xBC00, s26  }
.LBB2_1:
0x12: {  	[tilespmem:$0x600] =	vst v0  }
0x13: {  	[tilespmem:$0x610] =	vst v0  }
0x14: {  	[tilespmem:$0x620] =	vst v0  }
0x15: {  	[tilespmem:$0x630] =	vst v0  }
0x16: {  	[tilespmem:$0x640] =	vst v0  }
0x17: {  	[tilespmem:$0x650] =	vst v0  }
0x18: {  	[tilespmem:$0x660] =	vst v0  }
0x19: {  	[tilespmem:$0x670] =	vst v0  }
0x1a: {  	[spmem:s12], [sflag:s6] =	dma.local [hbm:s5], $0x50  }
0x1b: {  	_ =	swait.ge [sflag:s13], $0x50  }
0x1c: {  	[sflag:s13] =	ssyncset.done $0x0  }
0x1d: {  	[sflag:s13] =	ssyncadd.s32 $0xFFFFFFB0  }
0x1e: {  	[spmem:s14], [sflag:s6] =	dma.local [hbm:s5], $0x50  }
0x1f: {  	_ =	swait.ge [sflag:s13], $0x50  }
0x20: {  	[sflag:s13] =	ssyncset.done $0x0  }
0x21: {  	[sflag:s13] =	ssyncadd.s32 $0xFFFFFFB0  }
0x22: {  	s20 =	sadd.s32 $0x0, s11;
	[bflag:$0x0] =	sbarrier.arrive $0xFFFF  }
0x23: {  	[tilespmem:s15], [sflag:$0x1] =	stream.linear.gather [hbm4b:s20+s4], $0x80, $0x38;
	[tilespmem:$0x680] =	vst v63  }
0x24: {  	_ =	swait.ge [sflag:s13], $0x80  }
0x25: {  	[sflag:s13] =	ssyncset.done $0x0  }
0x26: {  	s31 =	sadd.s32 $0x0, s10;
	[sflag:s13] =	ssyncadd.s32 $0xFFFFFF80  }
0x27: {  	[tilespmem:s16], [sflag:$0x1] =	stream.linear.gather [hbm4b:s31+s4], $0x80, $0x38;
	[tilespmem:$0x680] =	vst v63  }
0x28: {  	_ =	swait.ge [sflag:s13], $0x80  }
0x29: {  	[sflag:s13] =	ssyncset.done $0x0  }
0x2a: {  	[sflag:s13] =	ssyncadd.s32 $0xFFFFFF80  }
0x2b: {  	[spmem:s2] =	stream.indirect.scatter.add.f32 [tilespmem:s18], [sflag:$0x1], $0x1, s15, s17, $0xb8;
	[tilespmem:$0x680] =	vst v63  }
0x2c: {  	_ =	swait.ge [sflag:s13], $0x80  }
0x2d: {  	[sflag:s13] =	ssyncset.done $0x0  }
0x2e: {  	[sflag:s13] =	ssyncadd.s32 $0xFFFFFF80  }
0x2f: {  	[spmem:s3] =	stream.indirect.scatter.add.f32 [tilespmem:s18], [sflag:$0x1], $0x1, s16, s17, $0xb8;
	[tilespmem:$0x680] =	vst v63  }
0x30: {  	_ =	swait.ge [sflag:s13], $0x80  }
0x31: {  	s21 =	simm.s32 $0x20;
	s20 =	simm.s32 $0x10;
	[sflag:s13] =	ssyncset.done $0x0  }
.LBB2_2:
0x32: {  	s22 =	sadd.s32 s20, s11  }
0x33: {  	[sflag:s13] =	ssyncadd.s32 $0xFFFFFF80;
	s23 =	smov.u32 s21;
	s24 =	sadd.s32 $0x10, s21  }
0x34: {  	[tilespmem:s15], [sflag:$0x1] =	stream.linear.gather [hbm4b:s22+s4], $0x80, $0x38;
	[tilespmem:$0x680] =	vst v63  }
0x35: {  	p0 =	sne.s32 s21, $0x4F0;
	_ =	swait.ge [sflag:s13], $0x80  }
0x36: {  	[sflag:s13] =	ssyncset.done $0x0  }
0x37: {  	s21 =	sadd.s32 s20, s10;
	s20 =	smov.u32 s23;
	[sflag:s13] =	ssyncadd.s32 $0xFFFFFF80  }
0x38: {  	[tilespmem:s16], [sflag:$0x1] =	stream.linear.gather [hbm4b:s21+s4], $0x80, $0x38;
	[tilespmem:$0x680] =	vst v63  }
0x39: {  	_ =	swait.ge [sflag:s13], $0x80  }
0x3a: {  	[sflag:s13] =	ssyncset.done $0x0  }
0x3b: {  	[sflag:s13] =	ssyncadd.s32 $0xFFFFFF80  }
0x3c: {  	[spmem:s2] =	stream.indirect.scatter.add.f32 [tilespmem:s18], [sflag:$0x1], $0x1, s15, s17, $0xb8;
	[tilespmem:$0x680] =	vst v63  }
0x3d: {  	_ =	swait.ge [sflag:s13], $0x80  }
.Ltmp0:
0x3e: {  	[sflag:s13] =	ssyncset.done $0x0;
	(pc) =	sbr.rel @p0 .LBB2_2-.Ltmp0, $4  }
0x3f: {  	[sflag:s13] =	ssyncadd.s32 $0xFFFFFF80  }
0x40: {  	[spmem:s3] =	stream.indirect.scatter.add.f32 [tilespmem:s18], [sflag:$0x1], $0x1, s16, s17, $0xb8;
	[tilespmem:$0x680] =	vst v63  }
0x41: {  	_ =	swait.ge [sflag:s13], $0x80  }
0x42: {  	s21 =	smov.u32 s24;
	[sflag:s13] =	ssyncset.done $0x0  }
0x43: {  	s21 =	sadd.s32 s20, s11;
	[sflag:s13] =	ssyncadd.s32 $0xFFFFFF80  }
0x44: {  	[tilespmem:s15], [sflag:$0x1] =	stream.linear.gather [hbm4b:s21+s4], $0x80, $0x38;
	[tilespmem:$0x680] =	vst v63  }
0x45: {  	_ =	swait.ge [sflag:s13], $0x80  }
0x46: {  	[sflag:s13] =	ssyncset.done $0x0  }
0x47: {  	s31 =	sadd.s32 s20, s10;
	[sflag:s13] =	ssyncadd.s32 $0xFFFFFF80  }
0x48: {  	[tilespmem:s16], [sflag:$0x1] =	stream.linear.gather [hbm4b:s31+s4], $0x80, $0x38;
	[tilespmem:$0x680] =	vst v63  }
0x49: {  	_ =	swait.ge [sflag:s13], $0x80  }
0x4a: {  	[sflag:s13] =	ssyncset.done $0x0  }
0x4b: {  	[sflag:s13] =	ssyncadd.s32 $0xFFFFFF80  }
0x4c: {  	[spmem:s2] =	stream.indirect.scatter.add.f32 [tilespmem:s18], [sflag:$0x1], $0x1, s15, s17, $0xb8;
	[tilespmem:$0x680] =	vst v63  }
0x4d: {  	_ =	swait.ge [sflag:s13], $0x80  }
0x4e: {  	[sflag:s13] =	ssyncset.done $0x0  }
0x4f: {  	[sflag:s13] =	ssyncadd.s32 $0xFFFFFF80  }
0x50: {  	[spmem:s3] =	stream.indirect.scatter.add.f32 [tilespmem:s18], [sflag:$0x1], $0x1, s16, s17, $0xb8;
	[tilespmem:$0x680] =	vst v63  }
0x51: {  	_ =	swait.ge [sflag:s13], $0x80  }
0x52: {  	[sflag:s13] =	ssyncset.done $0x0  }
0x53: {  	[sflag:s13] =	ssyncadd.s32 $0xFFFFFF80  }
0x54: {  	[bflag:$0x0] =	sbarrier.arrive $0xFFFF  }
0x55: {  	[hbm:s7], [sflag:s6] =	dma.local [spmem:s12], $0x50  }
0x56: {  	s19 =	sadd.s32 $0x1, s19;
	_ =	swait.ge [sflag:s13], $0x50  }
0x57: {  	p0 =	sne.s32 s19, s9;
	[sflag:s13] =	ssyncset.done $0x0  }
.Ltmp1:
0x58: {  	[sflag:s13] =	ssyncadd.s32 $0xFFFFFFB0;
	(pc) =	sbr.rel @p0 .LBB2_1-.Ltmp1, $4  }
0x59: {  	[hbm:s8], [sflag:s6] =	dma.local [spmem:s14], $0x50  }
0x5a: {  	_ =	swait.ge [sflag:s13], $0x50  }
0x5b: {  	[sflag:s13] =	ssyncset.done $0x0  }
0x5c: {  	[sflag:s13] =	ssyncadd.s32 $0xFFFFFFB0  }
0x5d: {  	_ =	sfence.sel $0x180000  }
0x5e: {  	[bflag:$0x0] =	sbarrier.arrive $0xFFFF  }
0x5f: {  	p0 =	sne.s32 s0, $0x0;
	_ =	strace $0x90000047  }
0x60: {  	s0 =	sadd.s32 @!p0 $0x100000, s1;
	[bflag:$0x2] =	sbarrier.arrive $0xFFFF  }
0x61: {  	[sflag:s0] =	ssyncadd.tile.s32 @!p0 $0x1;
	_ =	shalt  }
.Lfunc_end2:
_tile_overlayer_lowered:
.L_overlay_start_2:
0x62: {  	(tag) =	ssettag $0x2  }
0x63: {  	s0 =	rddreg [dreg:$0x0];
	s2 =	stileid.u32  }
0x64: {  	s1 =	rddreg [dreg:$0x1];
	p0 =	sne.s32 s2, $0x0  }
0x65: {  	s3 =	rddreg [dreg:$0x2];
	[bflag:$0x3] =	sbarrier.arrive $0xFFFF;
	s2 =	simm.s32 @!p0 $0x1C01  }
0x66: {  	[timem:s3], [sflag:s2] =	dma.local @!p0 [hbm:s0], s1  }
0x67: {  	s0 =	simm.s32 @!p0 $0x1  }
0x68: {  	_ =	swait.ge @!p0 [sflag:s0], s1  }
0x69: {  	s1 =	ssub.s32 @!p0 $0x0, s1;
	[sflag:s0] =	ssyncset.done @!p0 $0x0  }
0x6a: {  	[sflag:s0] =	ssyncadd.s32 @!p0 s1  }
0x6b: {  	[bflag:$0x3] =	sbarrier.arrive $0xFFFF  }
0x6c: {  	_ =	shalt  }

// kernel: kernel.9.cloned.1.call-start
scs
__scs_entry_jumppad:
0x0: {  	(pc) =	sbr.rel $0x88, $3  }
0x1: {  	(tag) =	ssettag $0x0;
	lr =	simm.s32 $0x1  }
0x2: {  	[smem:$0x3F99] =	sst lr;
	_ =	strace $0xD0000000  }
0x3: {  	_ = 	snop  }
0x4: {  	_ = 	snop  }
0x5: {  	_ = 	snop  }
0x6: {  	_ = 	snop  }
0x7: {  	_ = 	snop  }
__scs_overlays_trampoline_lowered:
0x8: {  	[smem:$0x3FA8] =	sst s0  }
0x9: {  	[smem:$0x3FA9] =	sst s1  }
0xa: {  	[smem:$0x3FAA] =	sst s2  }
0xb: {  	[smem:$0x3FAB] =	sst s3  }
0xc: {  	[smem:$0x3FAC] =	sst s4  }
0xd: {  	[smem:$0x3FAD] =	sst s5  }
0xe: {  	[smem:$0x3FAE] =	sst s6  }
0xf: {  	[smem:$0x3FAF] =	sst s7  }
0x10: {  	[smem:$0x3FB0] =	sst s8  }
0x11: {  	[smem:$0x3FB1] =	sst s9;
	s0 =	simm.s32 @!p0 $0x0  }
0x12: {  	s1 =	sld [smem:$0x3F97];
	s0 =	simm.s32 @p0 $0x1  }
0x13: {  	[smem:$0x3FB2] =	sst s0;
	s0 =	simm.s32 @!p1 $0x0  }
0x14: {  	s2 =	sld [smem:$0x3F96];
	s0 =	simm.s32 @p1 $0x1  }
0x15: {  	[smem:$0x3FB3] =	sst s0;
	s0 =	simm.s32 @!p2 $0x0  }
0x16: {  	s3 =	sld [smem:$0x3FDB];
	s0 =	simm.s32 @p2 $0x1  }
0x17: {  	s4 =	simm.s32 $0x1BF5;
	[smem:$0x3FB5] =	sst s0  }
0x18: {  	s0 =	sld [smem:$0x3F98];
	_ =	swait.ge [sflag:s4], $0x0  }
0x19: {  	s7 =	sld [smem:$0x3F99]  }
0x1a: {  	s8 =	sadd.s32 $0xFFFFE003, lr  }
0x1b: {  	s9 =	sadd.s32 $0xFFFFFEF7, lr;
	s5 =	simm.s32 $0xFFFFFFFF;
	p2 =	slt.u32 s8, $0xFFFFF086  }
0x1c: {  	p1 =	slt.u32 s9, $0xF7A;
	s5 =	simm.s32 @!p2 $0x0  }
0x1d: {  	s5 =	simm.s32 @p1 $0x1;
	p0 =	seq.s32 s7, s2  }
0x1e: {  	s7 =	smul.u32 @!p0 $0xF7A, s2;
	p2 =	seq.s32 @!p0 s5, $0x0  }
0x1f: {  	s9 =	smul.u32 $0xF7A, s1;
	s8 =	simm.s32 @!p0 $0x1BF5;
	p2 =	por !p2, p0  }
0x20: {  	[sflag:s8] =	ssyncset.s32 @!p0 $0xFFFFF086;
	s6 =	sadd.s32 @!p0 s3, s7;
	s7 =	simm.s32 @!p0 $0x108  }
0x21: {  	s3 =	sadd.s32 s3, s9;
	s6 =	sadd.s32 @!p0 $0x88, s6;
	s7 =	simm.s32 @p2 $0x1082  }
0x22: {  	[simem:s7], [sflag:s8] =	dma.local @!p0 [hbm:s6], $0xF7A  }
0x23: {  	s9 =	sor.u32 $0xD0000000, s2;
	s6 =	simm.s32 $0x108;
	_ =	swait.ge @!p0 [sflag:s8], $0x0  }
0x24: {  	s3 =	sadd.s32 $0x88, s3;
	s6 =	simm.s32 @!p1 $0x1082;
	[sflag:s4] =	ssyncset.s32 $0xFFFFF086  }
0x25: {  	[simem:s6], [sflag:s4] =	dma.local [hbm:s3], $0xF7A  }
0x26: {  	[smem:$0x3F99] =	sst s1;
	(tag) =	ssettag s2;
	_ =	strace s9  }
0x27: {  	s1 =	sld [smem:$0x3FA9]  }
0x28: {  	s2 =	sld [smem:$0x3FAA]  }
0x29: {  	s4 =	sld [smem:$0x3FAC]  }
0x2a: {  	p0 =	seq.s32 s5, $0x0;
	s5 =	sld [smem:$0x3FAD]  }
0x2b: {  	s6 =	sld [smem:$0x3FAE]  }
0x2c: {  	s7 =	sld [smem:$0x3FAF]  }
0x2d: {  	s3 =	simm.s32 $0x108;
	s8 =	sld [smem:$0x3FB0]  }
0x2e: {  	s3 =	simm.s32 @!p0 $0x1082;
	s9 =	sld [smem:$0x3FB1]  }
0x2f: {  	lr =	sadd.s32 s0, s3;
	s0 =	sld [smem:$0x3FA8]  }
0x30: {  	s3 =	sld [smem:$0x3FAB]  }
0x31: {  	[smem:$0x3FB4] =	sst s10  }
0x32: {  	s10 =	sld [smem:$0x3FB2];
	_ =	sdelay $0x3  }
0x33: {  	p0 =	seq.s32 s10, $0x1;
	s10 =	sld [smem:$0x3FB4];
	_ =	sdelay $0x3  }
0x34: {  	[smem:$0x3FB4] =	sst s10  }
0x35: {  	s10 =	sld [smem:$0x3FB3];
	_ =	sdelay $0x3  }
0x36: {  	p1 =	seq.s32 s10, $0x1;
	s10 =	sld [smem:$0x3FB4];
	_ =	sdelay $0x3  }
0x37: {  	[smem:$0x3FB4] =	sst s10  }
0x38: {  	s10 =	sld [smem:$0x3FB5]  }
0x39: {  	_ = 	snop;
	(pc) =	sbr.ind lr, $3  }
0x3a: {  	_ = 	snop  }
0x3b: {  	_ = 	snop  }
0x3c: {  	p2 =	seq.s32 s10, $0x1;
	s10 =	sld [smem:$0x3FB4]  }
0x3d: {  	_ =	shalt  }
0x3e: {  	_ =	shalt  }
0x3f: {  	_ =	shalt  }
0x40: {  	_ =	shalt  }
0x41: {  	_ =	shalt  }
0x42: {  	_ =	shalt  }
0x43: {  	_ =	shalt  }
0x44: {  	_ =	shalt  }
0x45: {  	_ =	shalt  }
0x46: {  	_ =	shalt  }
0x47: {  	_ =	shalt  }
0x48: {  	_ =	shalt  }
0x49: {  	_ =	shalt  }
0x4a: {  	_ =	shalt  }
0x4b: {  	_ =	shalt  }
0x4c: {  	_ =	shalt  }
0x4d: {  	_ =	shalt  }
0x4e: {  	_ =	shalt  }
0x4f: {  	_ =	shalt  }
0x50: {  	_ =	shalt  }
0x51: {  	_ =	shalt  }
0x52: {  	_ =	shalt  }
0x53: {  	_ =	shalt  }
0x54: {  	_ =	shalt  }
0x55: {  	_ =	shalt  }
0x56: {  	_ =	shalt  }
0x57: {  	_ =	shalt  }
0x58: {  	_ =	shalt  }
0x59: {  	_ =	shalt  }
0x5a: {  	_ =	shalt  }
0x5b: {  	_ =	shalt  }
0x5c: {  	_ =	shalt  }
0x5d: {  	_ =	shalt  }
0x5e: {  	_ =	shalt  }
0x5f: {  	_ =	shalt  }
0x60: {  	_ =	shalt  }
0x61: {  	_ =	shalt  }
0x62: {  	_ =	shalt  }
0x63: {  	_ =	shalt  }
0x64: {  	_ =	shalt  }
0x65: {  	_ =	shalt  }
0x66: {  	_ =	shalt  }
0x67: {  	_ =	shalt  }
0x68: {  	_ =	shalt  }
0x69: {  	_ =	shalt  }
0x6a: {  	_ =	shalt  }
0x6b: {  	_ =	shalt  }
0x6c: {  	_ =	shalt  }
0x6d: {  	_ =	shalt  }
0x6e: {  	_ =	shalt  }
0x6f: {  	_ =	shalt  }
0x70: {  	_ =	shalt  }
0x71: {  	_ =	shalt  }
0x72: {  	_ =	shalt  }
0x73: {  	_ =	shalt  }
0x74: {  	_ =	shalt  }
0x75: {  	_ =	shalt  }
0x76: {  	_ =	shalt  }
0x77: {  	_ =	shalt  }
0x78: {  	_ =	shalt  }
0x79: {  	_ =	shalt  }
0x7a: {  	_ =	shalt  }
0x7b: {  	_ =	shalt  }
0x7c: {  	_ =	shalt  }
0x7d: {  	_ =	shalt  }
0x7e: {  	_ =	shalt  }
0x7f: {  	_ =	shalt  }
0x80: {  	_ =	shalt  }
0x81: {  	_ =	shalt  }
0x82: {  	_ =	shalt  }
0x83: {  	_ =	shalt  }
0x84: {  	_ =	shalt  }
0x85: {  	_ =	shalt  }
0x86: {  	_ =	shalt  }
0x87: {  	_ =	shalt  }
.Lfunc_end0:
.L_simem_size_0:
called_computation.1_lowered:
.L_overlay_start_0:
0x88: {  	s2 =	sld [smem:$0x3FD9]  }
0x89: {  	s3 =	sld [smem:$0x3FFE];
	_ =	sdelay $0x1  }
0x8a: {  	s1 =	srdreg.scid  }
0x8b: {  	s0 =	sand.u32 $0x1, s1  }
0x8c: {  	s16 =	sshll.u32 s0, $0xA;
	s2 =	sadd.s32 s3, s2  }
0x8d: {  	s2 =	sadd.s32 s2, s16  }
0x8e: {  	[smem:$0x3FC0] =	sst s2  }
0x8f: {  	_ = 	snop  }
0x90: {  	(tm) =	ssettm $0x1  }
0x91: {  	s17 =	sld [smem:$0x3FFB];
	_ =	sdelay $0x3  }
0x92: {  	_ =	strace s17  }
0x93: {  	s2 =	sld [smem:$0x3FFC];
	_ =	sdelay $0x3  }
0x94: {  	_ =	strace s2  }
0x95: {  	s2 =	sld [smem:$0x3FFD];
	_ =	sdelay $0x3  }
0x96: {  	_ =	strace s2  }
0x97: {  	_ =	strace $0x8FFFFFFF  }
0x98: {  	s18 =	sld [smem:$0x3FDB];
	_ =	sdelay $0x1  }
0x99: {  	s19 =	simm.s32 $_scs_section_size  }
0x9a: {  	s4 =	simm.s32 $_size__tile_overlayer_lowered;
	s5 =	simm.s32 $_tile_overlayer_lowered  }
0x9b: {  	s22 =	simm.s32 $0x1BFF;
	s21 =	sshll.u32 s5, $0x1;
	s2 =	sadd.s32 s19, s18  }
0x9c: {  	s6 =	simm.s32 $0x0;
	s20 =	sshll.u32 s4, $0x1;
	s4 =	sadd.s32 s21, s2  }
0x9d: {  	[timem:s6], [sflag:s22] =	dma.local [hbm:s4], s20  }
0x9e: {  	_ =	swait.ge [sflag:s22], s20  }
0x9f: {  	s3 =	ssub.s32 $0x0, s20;
	[sflag:s22] =	ssyncset.done $0x0  }
0xa0: {  	[sflag:s22] =	ssyncadd.s32 s3;
	_ =	sdelay $0x1  }
0xa1: {  	s23 =	simm.s32 $0x1B8B  }
0xa2: {  	_ =	swait.ge [sflag:s23], $0x1  }
0xa3: {  	[sflag:s23] =	ssyncset.done $0x0  }
0xa4: {  	s25 =	simm.s32 $0x1B8E;
	s24 =	sld [smem:$0x3FFE];
	[sflag:s23] =	ssyncadd.s32 $0xFFFFFFFF  }
0xa5: {  	s26 =	simm.s32 $execute0_lowered;
	[smem:$0x3FD2] =	sst s25  }
0xa6: {  	s4 =	sshll.u32 s26, $0x1;
	_ =	strace $0x80000049;
	[dreg:$0x1] =	wrdreg $0xFFFFFFFF  }
0xa7: {  	s28 =	simm.s32 $_size_execute0_lowered;
	s2 =	sadd.s32 s2, s4;
	[dreg:$0x0] =	wrdreg $0x0  }
0xa8: {  	s4 =	sshll.u32 s28, $0x1;
	[dreg:$0x2] =	wrdreg s2  }
0xa9: {  	[dreg:$0x3] =	wrdreg s4  }
0xaa: {  	[dreg:$0x4] =	wrdreg $0xC0  }
0xab: {  	_ =	task [dreg:s6], $0x5FFFF  }
0xac: {  	[dreg:$0x1] =	wrdreg $0xFFFFFFFF  }
0xad: {  	[dreg:$0x0] =	wrdreg $0x60  }
0xae: {  	[dreg:$0x2] =	wrdreg s24  }
0xaf: {  	[dreg:$0x3] =	wrdreg $0x0  }
0xb0: {  	[dreg:$0x4] =	wrdreg $0x9  }
0xb1: {  	_ =	task.clear_ibuf [dreg:s6], $0x5FFFF;
	_ =	strace $0x90000049  }
0xb2: {  	s29 =	simm.s32 $0x9;
	_ =	strace $0x8000004B  }
0xb3: {  	_ =	swait.ge [sflag:s29], $0x1  }
0xb4: {  	[sflag:s29] =	ssyncadd.s32 $0xFFFFFFFF  }
0xb5: {  	_ =	strace $0x9000004B  }
0xb6: {  	_ =	sfence  }
0xb7: {  	s30 =	sld [smem:$0x0];
	_ =	sdelay $0x2  }
0xb8: {  	s31 =	sshll.u32 s1, $0xD;
	s1 =	sshrl.u32 s1, $0x2  }
0xb9: {  	s3 =	sand.u32 $0x4000, s31;
	s1 =	sadd.s32 s1, s30  }
0xba: {  	s0 =	sor.u32 s3, s0;
	s1 =	sshll.u32 s1, $0x11  }
0xbb: {  	s0 =	sor.u32 s1, s0  }
0xbc: {  	s0 =	sadd.s32 $0x8F2B, s0  }
0xbd: {  	[sflag:s0] =	ssyncadd.remote.s32 $0x1  }
0xbe: {  	_ =	sfence.sel $0xFFFF  }
0xbf: {  	[dreg:$0x0] =	wrdreg $0xFFFFFFFF;
	(pc) =	sbr.abs _section_cstart, $3  }
0xc0: {  	[dreg:$0x1] =	wrdreg $0xFFFFFFFF  }
0xc1: {  	_ =	task.clear_ibuf [dreg:s6], $0x2FFFF;
	_ =	strace $0x9FFFFFFF  }
0xc2: {  	(tm) =	ssettm $0x7FFFFFFF  }
0xc3: {  	_ =	shalt  }
tec
execute0_lowered:
.L_overlay_start_1:
0x0: {  	(tag) =	ssettag $0x1  }
0x1: {  	s6 =	rddreg [dreg:$0x0]  }
0x2: {  	s2 =	rddreg [dreg:$0x1]  }
0x3: {  	s0 =	srdreg.scid;
	s1 =	rddreg [dreg:$0x2]  }
0x4: {  	s3 =	simm.s32 $0x0;
	s14 =	simm.s32 $0xA080;
	s7 =	sand.u32 $0x1, s0  }
0x5: {  	s15 =	simm.s32 $0x80;
	s0 =	stileid.u32;
	s4 =	smul.u32 $0x28000, s7  }
0x6: {  	s16 =	simm.s32 $0xA100;
	s17 =	simm.s32 $0x1;
	s5 =	smul.u32 $0x2800, s0  }
0x7: {  	s18 =	simm.s32 $0x0;
	[smem:$0x7FF] =	sst s3;
	s8 =	smul.u32 $0x1400, s0  }
0x8: {  	s9 =	smul.u32 $0x14000, s7;
	_ =	strace $0x8000004A;
	s31 =	ssub.s32 $0x2, s7  }
0x9: {  	s30 =	smul.u32 $0x28000, s0;
	s11 =	sshll.u32 s0, $0x6;
	s7 =	sshrl.u32 s31, $0x1  }
0xa: {  	s5 =	sadd.s32 s5, s4;
	s4 =	sadd.s32 $0x17000, s6;
	s8 =	sadd.s32 s8, s9  }
0xb: {  	s9 =	sshrl.u32 s30, $0x2;
	s12 =	ssub.s32 s31, s7;
	s5 =	sshrl.u32 s5, $0x3  }
0xc: {  	s8 =	sadd.s32 s8, s6;
	s13 =	sadd.s32 s9, s2;
	s10 =	sadd.s32 s5, s6  }
0xd: {  	s5 =	sadd.s32 $0x2B000, s6;
	s6 =	sor.u32 $0x1C02, s11;
	s7 =	sadd.s32 $0x2C400, s8  }
0xe: {  	s8 =	smax.u32 s12, $0x1;
	s11 =	sshrl.u32 s13, $0x3;
	s12 =	simm.s32 $0x2  }
0xf: {  	s13 =	simm.s32 $0xA000;
	s9 =	sadd.s32 $0x1C00, s10;
	s10 =	sadd.s32 $0xBC00, s10  }
.LBB2_1:
0x10: {  	[spmem:s11], [sflag:s6] =	dma.local [hbm:s5], $0x1400  }
0x11: {  	_ =	swait.ge [sflag:s12], $0x1400  }
0x12: {  	[sflag:s12] =	ssyncset.done $0x0  }
0x13: {  	[sflag:s12] =	ssyncadd.s32 $0xFFFFEC00  }
0x14: {  	s19 =	sadd.s32 $0x0, s10;
	[bflag:$0x0] =	sbarrier.arrive $0xFFFF  }
0x15: {  	[tilespmem:s13], [sflag:$0x2] =	stream.linear.gather [hbm4b:s19+s3], $0x80, $0x38;
	[tilespmem:$0xC100] =	vst v63  }
0x16: {  	_ =	swait.ge [sflag:s12], $0x80  }
0x17: {  	[sflag:s12] =	ssyncset.done $0x0  }
0x18: {  	s31 =	sadd.s32 $0x0, s9;
	[sflag:s12] =	ssyncadd.s32 $0xFFFFFF80  }
0x19: {  	[tilespmem:s14], [sflag:$0x2] =	stream.linear.gather [hbm4b:s31+s3], $0x80, $0x38;
	[tilespmem:$0xC100] =	vst v63  }
0x1a: {  	_ =	swait.ge [sflag:s12], $0x80  }
0x1b: {  	[sflag:s12] =	ssyncset.done $0x0  }
0x1c: {  	[sflag:s12] =	ssyncadd.s32 $0xFFFFFF80  }
0x1d: {  	[tilespmem:s16], [sflag:$0x1] =	stream.indirect.gather [hbm4b:s4+s15], $0x40, s13, s15, $0xb8;
	[tilespmem:$0xC100] =	vst v63  }
0x1e: {  	_ =	swait.ge [sflag:s17], $0x2000  }
0x1f: {  	[sflag:s17] =	ssyncset.done $0x0  }
0x20: {  	[sflag:s17] =	ssyncadd.s32 $0xFFFFE000  }
0x21: {  	[spmem:s2] =	stream.indirect.scatter.add.f32 [tilespmem:s16], [sflag:$0x2], $0x40, s14, s15, $0xb8;
	[tilespmem:$0xC100] =	vst v63  }
0x22: {  	_ =	swait.ge [sflag:s12], $0x2000  }
0x23: {  	s20 =	simm.s32 $0x20;
	s19 =	simm.s32 $0x10;
	[sflag:s12] =	ssyncset.done $0x0  }
.LBB2_2:
0x24: {  	s21 =	sadd.s32 s19, s10  }
0x25: {  	[sflag:s12] =	ssyncadd.s32 $0xFFFFE000;
	s22 =	smov.u32 s20;
	s23 =	sadd.s32 $0x10, s20  }
0x26: {  	[tilespmem:s13], [sflag:$0x2] =	stream.linear.gather [hbm4b:s21+s3], $0x80, $0x38;
	[tilespmem:$0xC100] =	vst v63  }
0x27: {  	p0 =	sne.s32 s20, $0x4F0;
	_ =	swait.ge [sflag:s12], $0x80  }
0x28: {  	[sflag:s12] =	ssyncset.done $0x0  }
0x29: {  	s20 =	sadd.s32 s19, s9;
	s19 =	smov.u32 s22;
	[sflag:s12] =	ssyncadd.s32 $0xFFFFFF80  }
0x2a: {  	[tilespmem:s14], [sflag:$0x2] =	stream.linear.gather [hbm4b:s20+s3], $0x80, $0x38;
	[tilespmem:$0xC100] =	vst v63  }
0x2b: {  	_ =	swait.ge [sflag:s12], $0x80  }
0x2c: {  	[sflag:s12] =	ssyncset.done $0x0  }
0x2d: {  	[sflag:s12] =	ssyncadd.s32 $0xFFFFFF80  }
0x2e: {  	[tilespmem:s16], [sflag:$0x1] =	stream.indirect.gather [hbm4b:s4+s15], $0x40, s13, s15, $0xb8;
	[tilespmem:$0xC100] =	vst v63  }
0x2f: {  	_ =	swait.ge [sflag:s17], $0x2000  }
.Ltmp0:
0x30: {  	[sflag:s17] =	ssyncset.done $0x0;
	(pc) =	sbr.rel @p0 .LBB2_2-.Ltmp0, $4  }
0x31: {  	[sflag:s17] =	ssyncadd.s32 $0xFFFFE000  }
0x32: {  	[spmem:s2] =	stream.indirect.scatter.add.f32 [tilespmem:s16], [sflag:$0x2], $0x40, s14, s15, $0xb8;
	[tilespmem:$0xC100] =	vst v63  }
0x33: {  	_ =	swait.ge [sflag:s12], $0x2000  }
0x34: {  	s20 =	smov.u32 s23;
	[sflag:s12] =	ssyncset.done $0x0  }
0x35: {  	s20 =	sadd.s32 s19, s10;
	[sflag:s12] =	ssyncadd.s32 $0xFFFFE000  }
0x36: {  	[tilespmem:s13], [sflag:$0x2] =	stream.linear.gather [hbm4b:s20+s3], $0x80, $0x38;
	[tilespmem:$0xC100] =	vst v63  }
0x37: {  	_ =	swait.ge [sflag:s12], $0x80  }
0x38: {  	[sflag:s12] =	ssyncset.done $0x0  }
0x39: {  	s31 =	sadd.s32 s19, s9;
	[sflag:s12] =	ssyncadd.s32 $0xFFFFFF80  }
0x3a: {  	[tilespmem:s14], [sflag:$0x2] =	stream.linear.gather [hbm4b:s31+s3], $0x80, $0x38;
	[tilespmem:$0xC100] =	vst v63  }
0x3b: {  	_ =	swait.ge [sflag:s12], $0x80  }
0x3c: {  	[sflag:s12] =	ssyncset.done $0x0  }
0x3d: {  	[sflag:s12] =	ssyncadd.s32 $0xFFFFFF80  }
0x3e: {  	[tilespmem:s16], [sflag:$0x1] =	stream.indirect.gather [hbm4b:s4+s15], $0x40, s13, s15, $0xb8;
	[tilespmem:$0xC100] =	vst v63  }
0x3f: {  	_ =	swait.ge [sflag:s17], $0x2000  }
0x40: {  	[sflag:s17] =	ssyncset.done $0x0  }
0x41: {  	[sflag:s17] =	ssyncadd.s32 $0xFFFFE000  }
0x42: {  	[spmem:s2] =	stream.indirect.scatter.add.f32 [tilespmem:s16], [sflag:$0x2], $0x40, s14, s15, $0xb8;
	[tilespmem:$0xC100] =	vst v63  }
0x43: {  	_ =	swait.ge [sflag:s12], $0x2000  }
0x44: {  	s18 =	sadd.s32 $0x1, s18;
	[sflag:s12] =	ssyncset.done $0x0  }
0x45: {  	p0 =	sne.s32 s18, s8;
	[sflag:s12] =	ssyncadd.s32 $0xFFFFE000  }
.Ltmp1:
0x46: {  	[bflag:$0x0] =	sbarrier.arrive $0xFFFF;
	(pc) =	sbr.rel @p0 .LBB2_1-.Ltmp1, $4  }
0x47: {  	[hbm:s7], [sflag:s6] =	dma.local [spmem:s11], $0x1400  }
0x48: {  	_ =	swait.ge [sflag:s12], $0x1400  }
0x49: {  	[sflag:s12] =	ssyncset.done $0x0  }
0x4a: {  	[sflag:s12] =	ssyncadd.s32 $0xFFFFEC00  }
0x4b: {  	_ =	sfence.sel $0x180000  }
0x4c: {  	[bflag:$0x0] =	sbarrier.arrive $0xFFFF  }
0x4d: {  	p0 =	sne.s32 s0, $0x0;
	_ =	strace $0x9000004A  }
0x4e: {  	s0 =	sadd.s32 @!p0 $0x100000, s1;
	[bflag:$0x2] =	sbarrier.arrive $0xFFFF  }
0x4f: {  	[sflag:s0] =	ssyncadd.tile.s32 @!p0 $0x1;
	_ =	shalt  }
.Lfunc_end2:
_tile_overlayer_lowered:
.L_overlay_start_2:
0x50: {  	(tag) =	ssettag $0x2  }
0x51: {  	s0 =	rddreg [dreg:$0x0];
	s2 =	stileid.u32  }
0x52: {  	s1 =	rddreg [dreg:$0x1];
	p0 =	sne.s32 s2, $0x0  }
0x53: {  	s3 =	rddreg [dreg:$0x2];
	[bflag:$0x3] =	sbarrier.arrive $0xFFFF;
	s2 =	simm.s32 @!p0 $0x1C02  }
0x54: {  	[timem:s3], [sflag:s2] =	dma.local @!p0 [hbm:s0], s1  }
0x55: {  	s0 =	simm.s32 @!p0 $0x2  }
0x56: {  	_ =	swait.ge @!p0 [sflag:s0], s1  }
0x57: {  	s1 =	ssub.s32 @!p0 $0x0, s1;
	[sflag:s0] =	ssyncset.done @!p0 $0x0  }
0x58: {  	[sflag:s0] =	ssyncadd.s32 @!p0 s1  }
0x59: {  	[bflag:$0x3] =	sbarrier.arrive $0xFFFF  }
0x5a: {  	_ =	shalt  }

</sc_bundles>
